<compile_context>
chip_gen: v7x
topology: tpu7x:2x2x1
jax: 0.10.2.dev20260603
libtpu: 0.0.44.dev20260713+nightly
codegen_flags: <defaults>
</compile_context>

<pallas_src>
import dataclasses
import functools

import jax
import jax.numpy as jnp
from jax import lax
from jax.experimental import pallas as pl
from jax.experimental.pallas import tpu as pltpu
from jax.experimental.pallas import tpu_sc as plsc

N = 10000
E = 320000
D_IN = 128
D_HID = 256
D_OUT = 128

NPAD = 10240
E_PAD = 327680
NC = 2
NS = 16
BLK = 64
NB1 = 320
NB2 = 160
CH = 40
NBUF = 4
ROWS_PER_TILE = NPAD // NS

R = 400
G = N // R

_mesh = plsc.VectorSubcoreMesh(core_axis_name="c", subcore_axis_name="s")
_f32 = jnp.float32



_sc_cp = pltpu.CompilerParams()
if "needs_layout_passes" in pltpu.CompilerParams.__dataclass_fields__:
    _sc_cp = dataclasses.replace(_sc_cp, needs_layout_passes=False)


@functools.partial(
    pl.kernel,
    out_type=jax.ShapeDtypeStruct((NC * NS, NPAD), _f32),
    mesh=_mesh,
    compiler_params=_sc_cp,
    scratch_types=[
        pltpu.VMEM((NB2, BLK), jnp.int32),
        pltpu.VMEM((NPAD,), _f32),
    ],
)
def _deg_kernel(dst_hbm, zeros_hbm, out_hbm, dst_v, hist_v):
    c = lax.axis_index("c")
    s = lax.axis_index("s")
    wid = c * NS + s

    pltpu.sync_copy(dst_hbm.at[wid], dst_v)
    pltpu.sync_copy(zeros_hbm, hist_v)
    ones = jnp.ones((16,), _f32)

    @pl.loop(0, NB2)
    def _(j):
        for k in range(BLK // 16):
            idx = dst_v[j, pl.ds(k * 16, 16)]
            plsc.addupdate_scatter(hist_v, [idx], ones)

    pltpu.sync_copy(hist_v, out_hbm.at[wid])


def _make_acc_kernel(nblk, col_split):

    @functools.partial(
        pl.kernel,
        out_type=jax.ShapeDtypeStruct((NC, NPAD, 128), _f32),
        mesh=_mesh,
        scratch_types=[
            pltpu.VMEM((CH, BLK), jnp.int32),
            pltpu.VMEM((CH, BLK), jnp.int32),
            pltpu.VMEM((NBUF, BLK, 128), _f32),
            pltpu.VMEM_SHARED((NPAD, 128), _f32),
            pltpu.SemaphoreType.DMA((NBUF,)),
        ],
    )
    def _acc_kernel(table_hbm, src_hbm, dst_hbm, zeros_hbm, out_hbm,
                    src_v, dst_v, bufs_v, acc_sh, gsem):
        c = lax.axis_index("c")
        s = lax.axis_index("s")
        idx_row = s if col_split else c * NS + s

        pltpu.sync_copy(zeros_hbm,
                        acc_sh.at[pl.ds(s * ROWS_PER_TILE, ROWS_PER_TILE)])
        plsc.subcore_barrier()

        table = table_hbm.at[c] if col_split else table_hbm
        dummy_src = zeros_hbm.at[pl.ds(0, BLK)]

        def wait_dma(sem, b):
            pltpu.make_async_copy(dummy_src, bufs_v.at[b], sem.at[b]).wait()

        @pl.loop(0, nblk // CH)
        def _(t):
            csl = pl.ds(t * CH, CH)
            pltpu.sync_copy(src_hbm.at[idx_row, csl], src_v)
            pltpu.sync_copy(dst_hbm.at[idx_row, csl], dst_v)
            for b in range(NBUF):
                pltpu.async_copy(table.at[src_v.at[b]], bufs_v.at[b],
                                 gsem.at[b])

            @pl.loop(0, CH // NBUF)
            def _(q):
                for b in range(NBUF):
                    jj = q * NBUF + b
                    wait_dma(gsem, b)
                    pltpu.sync_copy(bufs_v.at[b], acc_sh.at[dst_v.at[jj]],
                                    add=True)

                    @pl.when(jj < CH - NBUF)
                    def _():
                        pltpu.async_copy(table.at[src_v.at[jj + NBUF]],
                                         bufs_v.at[b], gsem.at[b])

        plsc.subcore_barrier()
        sl = pl.ds(s * ROWS_PER_TILE, ROWS_PER_TILE)
        pltpu.sync_copy(acc_sh.at[sl], out_hbm.at[c, sl])

    return _acc_kernel


_acc_colsplit = _make_acc_kernel(NB1, col_split=True)
_acc_edgesplit = _make_acc_kernel(NB2, col_split=False)



def _dinv_body(deg_ref, o_ref):
    deg = jnp.sum(deg_ref[...], axis=0) + 1.0
    o_ref[...] = lax.rsqrt(deg)[:, None]


def _dinv(degp):
    return pl.pallas_call(
        _dinv_body,
        out_shape=jax.ShapeDtypeStruct((NPAD, 1), _f32),
    )(degp)


def _mm1_body(x_ref, w_ref, o_ref):
    o_ref[...] = jnp.dot(x_ref[...], w_ref[...],
                         preferred_element_type=_f32)[None]


def _mm1(x, W1):
    return pl.pallas_call(
        _mm1_body,
        grid=(G, NC),
        in_specs=[
            pl.BlockSpec((R, D_IN), lambda i, j: (i, 0)),
            pl.BlockSpec((D_IN, 128), lambda i, j: (0, j)),
        ],
        out_specs=pl.BlockSpec((1, R, 128), lambda i, j: (j, i, 0)),
        out_shape=jax.ShapeDtypeStruct((NC, N, 128), _f32),
    )(x, W1)


def _scale_body(m_ref, d_ref, o_ref):
    o_ref[...] = m_ref[...] * d_ref[...][None]


def _scale(m1, dinv):
    return pl.pallas_call(
        _scale_body,
        grid=(G, NC),
        in_specs=[
            pl.BlockSpec((1, R, 128), lambda i, j: (j, i, 0)),
            pl.BlockSpec((R, 1), lambda i, j: (i, 0)),
        ],
        out_specs=pl.BlockSpec((1, R, 128), lambda i, j: (j, i, 0)),
        out_shape=jax.ShapeDtypeStruct((NC, N, 128), _f32),
    )(m1, dinv)


def _ep1_body(a_ref, h_ref, d_ref, b_ref, w_ref, h1o_ref, h2p_ref):
    dinv = d_ref[...]
    t = jnp.concatenate([a_ref[0] + h_ref[0], a_ref[1] + h_ref[1]], axis=-1)
    h1b = jnp.maximum(t * dinv + b_ref[...], 0.0)
    h1o_ref[...] = h1b
    h2p_ref[...] = jnp.dot(h1b, w_ref[...], preferred_element_type=_f32) * dinv


def _ep1(acc1, h1p, dinv, b1, W2):
    return pl.pallas_call(
        _ep1_body,
        grid=(G,),
        in_specs=[
            pl.BlockSpec((NC, R, 128), lambda i: (0, i, 0)),
            pl.BlockSpec((NC, R, 128), lambda i: (0, i, 0)),
            pl.BlockSpec((R, 1), lambda i: (i, 0)),
            pl.BlockSpec((1, D_HID), lambda i: (0, 0)),
            pl.BlockSpec((D_HID, D_OUT), lambda i: (0, 0)),
        ],
        out_specs=[
            pl.BlockSpec((R, D_HID), lambda i: (i, 0)),
            pl.BlockSpec((R, D_OUT), lambda i: (i, 0)),
        ],
        out_shape=[
            jax.ShapeDtypeStruct((N, D_HID), _f32),
            jax.ShapeDtypeStruct((N, D_OUT), _f32),
        ],
    )(acc1, h1p, dinv, b1, W2)


def _ep2_body(a_ref, h_ref, d_ref, b_ref, o_ref):
    t = a_ref[0] + a_ref[1] + h_ref[...]
    o_ref[...] = jnp.maximum(t * d_ref[...] + b_ref[...], 0.0)


def _ep2(acc2, h2p, dinv, b2):
    return pl.pallas_call(
        _ep2_body,
        grid=(G,),
        in_specs=[
            pl.BlockSpec((NC, R, 128), lambda i: (0, i, 0)),
            pl.BlockSpec((R, D_OUT), lambda i: (i, 0)),
            pl.BlockSpec((R, 1), lambda i: (i, 0)),
            pl.BlockSpec((1, D_OUT), lambda i: (0, 0)),
        ],
        out_specs=pl.BlockSpec((R, D_OUT), lambda i: (i, 0)),
        out_shape=jax.ShapeDtypeStruct((N, D_OUT), _f32),
    )(acc2, h2p, dinv, b2)



def kernel(x, edge_index, W1, b1, W2, b2):
    src = edge_index[0].astype(jnp.int32)
    dst = edge_index[1].astype(jnp.int32)

    pad = E_PAD - E
    src_p = jnp.concatenate([src, jnp.zeros((pad,), jnp.int32)])
    dst_p = jnp.concatenate(
        [dst, N + (jnp.arange(pad, dtype=jnp.int32) % (NPAD - N))])

    src1 = src_p.reshape(NS, NB1, BLK)
    dst1 = dst_p.reshape(NS, NB1, BLK)
    src2 = src_p.reshape(NC * NS, NB2, BLK)
    dst2 = dst_p.reshape(NC * NS, NB2, BLK)

    zeros1 = jnp.zeros((NPAD,), _f32)
    zeros128 = jnp.zeros((ROWS_PER_TILE, 128), _f32)

    degp = _deg_kernel(dst2, zeros1)
    m1 = _mm1(x, W1)
    dinv = _dinv(degp)
    h1p = _scale(m1, dinv)
    acc1 = _acc_colsplit(h1p, src1, dst1, zeros128)
    h1, h2p = _ep1(acc1, h1p, dinv, b1.reshape(1, D_HID), W2)
    acc2 = _acc_edgesplit(h2p, src2, dst2, zeros128)
    h2 = _ep2(acc2, h2p, dinv, b2.reshape(1, D_OUT))
    return (h1, h2)

# --- scband reference (transcript-rebuilt; emitter-appended) ---
"""Pipeline reference for scband-encoder-recoverability-66984309948889 (READ-ONLY COPY).

The authoritative reference and input builder live on the scoring server;
editing this copy changes nothing except your own understanding.
"""

import jax, jax.numpy as jnp
import numpy as np

N = 10000
E = 320000
D_IN = 128
D_OUT = 128  # out_channels; hidden = 2*D_OUT = 256


def gcn_conv(x, edge_index, W, b):
    n = x.shape[0]
    loop = jnp.arange(n, dtype=edge_index.dtype)
    src = jnp.concatenate([edge_index[0], loop])
    dst = jnp.concatenate([edge_index[1], loop])
    deg = jax.ops.segment_sum(jnp.ones_like(src, dtype=x.dtype), dst, num_segments=n)
    dinv = jnp.where(deg > 0, 1.0 / jnp.sqrt(deg), 0.0)
    norm = dinv[src] * dinv[dst]
    h = x @ W
    msg = h[src] * norm[:, None]
    out = jax.ops.segment_sum(msg, dst, num_segments=n)
    return out + b


def setup_inputs(seed: int = 0) -> dict:
    key = jax.random.key(seed)
    k1, k2, k3, k4 = jax.random.split(key, 4)
    x = jax.random.normal(k1, (N, D_IN), dtype=jnp.float32)
    edge_index = jax.random.randint(k2, (2, E), 0, N)
    W1 = jax.random.normal(k3, (D_IN, 2 * D_OUT), dtype=jnp.float32) * (1.0 / np.sqrt(D_IN))
    b1 = jnp.zeros((2 * D_OUT,), dtype=jnp.float32)
    W2 = jax.random.normal(k4, (2 * D_OUT, D_OUT), dtype=jnp.float32) * (1.0 / np.sqrt(2 * D_OUT))
    b2 = jnp.zeros((D_OUT,), dtype=jnp.float32)
    return {"x": x, "edge_index": edge_index, "W1": W1, "b1": b1, "W2": W2, "b2": b2}


def reference(x, edge_index, W1, b1, W2, b2):
    # k=2 stacked GCN convs with activation, returning all intermediate embeddings h
    h1 = jax.nn.relu(gcn_conv(x, edge_index, W1, b1))
    h2 = jax.nn.relu(gcn_conv(h1, edge_index, W2, b2))
    return (h1, h2)

if __name__ == "__main__":
    import jax
    _d = setup_inputs()
    print(jax.jit(kernel)(*tuple(_d.values())))

</pallas_src>

<mosaic_0001>
#map = affine_map<(d0, d1) -> (0, 0, 0)>
#map1 = affine_map<(d0, d1) -> (0, 0)>
module attributes {stable_mosaic.version = 14 : i64} {
  func.func @_acc_kernel(%arg0: i32, %arg1: i32, %arg2: memref<2x10000x128xf32, #tpu.memory_space<hbm>>, %arg3: memref<16x320x64xi32, #tpu.memory_space<hbm>>, %arg4: memref<16x320x64xi32, #tpu.memory_space<hbm>>, %arg5: memref<640x128xf32, #tpu.memory_space<hbm>>, %arg6: memref<2x10240x128xf32, #tpu.memory_space<hbm>>, %arg7: memref<40x64xi32, #tpu.memory_space<vmem>>, %arg8: memref<40x64xi32, #tpu.memory_space<vmem>>, %arg9: memref<4x64x128xf32, #tpu.memory_space<vmem>>, %arg10: memref<10240x128xf32, #tpu.memory_space<vmem_shared>>, %arg11: memref<4x!tpu.dma_semaphore, #tpu.memory_space<semaphore_mem>>) attributes {dimension_semantics = [#tpu.dimension_semantics<core_parallel>, #tpu.dimension_semantics<subcore_parallel>], iteration_bounds = array<i64: 2, 16>, scalar_prefetch = 0 : i64, scratch_operands = 5 : i64, tpu.core_type = #tpu.core_type<sc_vector_subcore>, window_params = [{transform_indices = #map}, {transform_indices = #map}, {transform_indices = #map}, {transform_indices = #map1}, {transform_indices = #map}]} {
    %mul3A = arith.constant 640 : i32
    %mul3A_0 = arith.muli %arg1, %mul3A : i32
    "tpu.region"() ({
      %run_scoped3A = tpu.sem_alloc : memref<!tpu.dma_semaphore, #tpu.memory_space<semaphore_mem>>
      %dma_start3A = arith.constant 0 : i32
      %dma_start3A_8 = tpu.memref_slice %arg10[%mul3A_0, %dma_start3A] : memref<10240x128xf32, #tpu.memory_space<vmem_shared>> -> memref<640x128xf32, #tpu.memory_space<vmem_shared>>
      tpu.enqueue_dma source(%arg5 : memref<640x128xf32, #tpu.memory_space<hbm>>) target(%dma_start3A_8 : memref<640x128xf32, #tpu.memory_space<vmem_shared>>) target_semaphore(%run_scoped3A : memref<!tpu.dma_semaphore, #tpu.memory_space<semaphore_mem>>)
      %dma_wait3A = arith.constant 0 : i32
      %dma_wait3A_9 = tpu.memref_slice %arg10[%mul3A_0, %dma_wait3A] : memref<10240x128xf32, #tpu.memory_space<vmem_shared>> -> memref<640x128xf32, #tpu.memory_space<vmem_shared>>
      tpu.wait_dma2 semaphore(%run_scoped3A : memref<!tpu.dma_semaphore, #tpu.memory_space<semaphore_mem>>) src(%arg5 : memref<640x128xf32, #tpu.memory_space<hbm>>) dst(%dma_wait3A_9 : memref<640x128xf32, #tpu.memory_space<vmem_shared>>)
      tpu.yield
    }) : () -> ()
    %barrier3A = arith.constant 0 : index
    tpu.barrier barrier_id(%barrier3A)
    %scan3A = arith.constant 0 : i32
    %scan3A_1 = arith.constant 8 : i32
    %scan3A_2 = arith.addi %scan3A, %scan3A_1 : i32
    %scan3A_3 = arith.constant 1 : i32
    scf.for %scan3A_8 = %scan3A to %scan3A_2 step %scan3A_3  : i32 {
      %mul3A_9 = arith.constant 1 : i32
      %mul3A_10 = arith.muli %scan3A_8, %mul3A_9 : i32
      %add3A = arith.constant 0 : i32
      %add3A_11 = arith.addi %add3A, %mul3A_10 : i32
      %mul3A_12 = arith.constant 40 : i32
      %mul3A_13 = arith.muli %add3A_11, %mul3A_12 : i32
      "tpu.region"() ({
        %run_scoped3A = tpu.sem_alloc : memref<!tpu.dma_semaphore, #tpu.memory_space<semaphore_mem>>
        %dma_start3A_94 = arith.constant 0 : i32
        %dma_start3A_95 = tpu.memref_slice %arg3[%arg1, %mul3A_13, %dma_start3A_94] : memref<16x320x64xi32, #tpu.memory_space<hbm>> -> memref<1x40x64xi32, #tpu.memory_space<hbm>>
        %dma_start3A_96 = tpu.memref_squeeze %dma_start3A_95 : memref<1x40x64xi32, #tpu.memory_space<hbm>> -> memref<40x64xi32, #tpu.memory_space<hbm>>
        %dma_start3A_97 = arith.constant 0 : i32
        %dma_start3A_98 = tpu.memref_slice %arg3[%arg1, %mul3A_13, %dma_start3A_97] : memref<16x320x64xi32, #tpu.memory_space<hbm>> -> memref<1x40x64xi32, #tpu.memory_space<hbm>>
        %dma_start3A_99 = tpu.memref_squeeze %dma_start3A_98 : memref<1x40x64xi32, #tpu.memory_space<hbm>> -> memref<40x64xi32, #tpu.memory_space<hbm>>
        tpu.enqueue_dma source(%dma_start3A_99 : memref<40x64xi32, #tpu.memory_space<hbm>>) target(%arg7 : memref<40x64xi32, #tpu.memory_space<vmem>>) target_semaphore(%run_scoped3A : memref<!tpu.dma_semaphore, #tpu.memory_space<semaphore_mem>>)
        %dma_wait3A = arith.constant 0 : i32
        %dma_wait3A_100 = tpu.memref_slice %arg3[%arg1, %mul3A_13, %dma_wait3A] : memref<16x320x64xi32, #tpu.memory_space<hbm>> -> memref<1x40x64xi32, #tpu.memory_space<hbm>>
        %dma_wait3A_101 = tpu.memref_squeeze %dma_wait3A_100 : memref<1x40x64xi32, #tpu.memory_space<hbm>> -> memref<40x64xi32, #tpu.memory_space<hbm>>
        %dma_wait3A_102 = arith.constant 0 : i32
        %dma_wait3A_103 = tpu.memref_slice %arg3[%arg1, %mul3A_13, %dma_wait3A_102] : memref<16x320x64xi32, #tpu.memory_space<hbm>> -> memref<1x40x64xi32, #tpu.memory_space<hbm>>
        %dma_wait3A_104 = tpu.memref_squeeze %dma_wait3A_103 : memref<1x40x64xi32, #tpu.memory_space<hbm>> -> memref<40x64xi32, #tpu.memory_space<hbm>>
        tpu.wait_dma2 semaphore(%run_scoped3A : memref<!tpu.dma_semaphore, #tpu.memory_space<semaphore_mem>>) src(%dma_wait3A_104 : memref<40x64xi32, #tpu.memory_space<hbm>>) dst(%arg7 : memref<40x64xi32, #tpu.memory_space<vmem>>)
        tpu.yield
      }) : () -> ()
      "tpu.region"() ({
        %run_scoped3A = tpu.sem_alloc : memref<!tpu.dma_semaphore, #tpu.memory_space<semaphore_mem>>
        %dma_start3A_94 = arith.constant 0 : i32
        %dma_start3A_95 = tpu.memref_slice %arg4[%arg1, %mul3A_13, %dma_start3A_94] : memref<16x320x64xi32, #tpu.memory_space<hbm>> -> memref<1x40x64xi32, #tpu.memory_space<hbm>>
        %dma_start3A_96 = tpu.memref_squeeze %dma_start3A_95 : memref<1x40x64xi32, #tpu.memory_space<hbm>> -> memref<40x64xi32, #tpu.memory_space<hbm>>
        %dma_start3A_97 = arith.constant 0 : i32
        %dma_start3A_98 = tpu.memref_slice %arg4[%arg1, %mul3A_13, %dma_start3A_97] : memref<16x320x64xi32, #tpu.memory_space<hbm>> -> memref<1x40x64xi32, #tpu.memory_space<hbm>>
        %dma_start3A_99 = tpu.memref_squeeze %dma_start3A_98 : memref<1x40x64xi32, #tpu.memory_space<hbm>> -> memref<40x64xi32, #tpu.memory_space<hbm>>
        tpu.enqueue_dma source(%dma_start3A_99 : memref<40x64xi32, #tpu.memory_space<hbm>>) target(%arg8 : memref<40x64xi32, #tpu.memory_space<vmem>>) target_semaphore(%run_scoped3A : memref<!tpu.dma_semaphore, #tpu.memory_space<semaphore_mem>>)
        %dma_wait3A = arith.constant 0 : i32
        %dma_wait3A_100 = tpu.memref_slice %arg4[%arg1, %mul3A_13, %dma_wait3A] : memref<16x320x64xi32, #tpu.memory_space<hbm>> -> memref<1x40x64xi32, #tpu.memory_space<hbm>>
        %dma_wait3A_101 = tpu.memref_squeeze %dma_wait3A_100 : memref<1x40x64xi32, #tpu.memory_space<hbm>> -> memref<40x64xi32, #tpu.memory_space<hbm>>
        %dma_wait3A_102 = arith.constant 0 : i32
        %dma_wait3A_103 = tpu.memref_slice %arg4[%arg1, %mul3A_13, %dma_wait3A_102] : memref<16x320x64xi32, #tpu.memory_space<hbm>> -> memref<1x40x64xi32, #tpu.memory_space<hbm>>
        %dma_wait3A_104 = tpu.memref_squeeze %dma_wait3A_103 : memref<1x40x64xi32, #tpu.memory_space<hbm>> -> memref<40x64xi32, #tpu.memory_space<hbm>>
        tpu.wait_dma2 semaphore(%run_scoped3A : memref<!tpu.dma_semaphore, #tpu.memory_space<semaphore_mem>>) src(%dma_wait3A_104 : memref<40x64xi32, #tpu.memory_space<hbm>>) dst(%arg8 : memref<40x64xi32, #tpu.memory_space<vmem>>)
        tpu.yield
      }) : () -> ()
      %dma_start3A = arith.constant 0 : i32
      %dma_start3A_14 = arith.constant 0 : i32
      %dma_start3A_15 = arith.constant 0 : i32
      %dma_start3A_16 = arith.constant 0 : i32
      %dma_start3A_17 = arith.constant 0 : i32
      %dma_start3A_18 = tpu.memref_slice %arg9[%dma_start3A_14, %dma_start3A_16, %dma_start3A_17] : memref<4x64x128xf32, #tpu.memory_space<vmem>> -> memref<1x64x128xf32, #tpu.memory_space<vmem>>
      %dma_start3A_19 = tpu.memref_squeeze %dma_start3A_18 : memref<1x64x128xf32, #tpu.memory_space<vmem>> -> memref<64x128xf32, #tpu.memory_space<vmem>>
      %dma_start3A_20 = arith.constant 0 : i32
      %dma_start3A_21 = tpu.memref_slice %arg7[%dma_start3A, %dma_start3A_20] : memref<40x64xi32, #tpu.memory_space<vmem>> -> memref<1x64xi32, #tpu.memory_space<vmem>>
      %dma_start3A_22 = tpu.memref_squeeze %dma_start3A_21 : memref<1x64xi32, #tpu.memory_space<vmem>> -> memref<64xi32, #tpu.memory_space<vmem>>
      %dma_start3A_23 = arith.constant 0 : i32
      %dma_start3A_24 = arith.constant 0 : i32
      %dma_start3A_25 = tpu.memref_slice %arg2[%arg0, %dma_start3A_23, %dma_start3A_24] : memref<2x10000x128xf32, #tpu.memory_space<hbm>> -> memref<1x10000x128xf32, #tpu.memory_space<hbm>>
      %dma_start3A_26 = tpu.memref_squeeze %dma_start3A_25 : memref<1x10000x128xf32, #tpu.memory_space<hbm>> -> memref<10000x128xf32, #tpu.memory_space<hbm>>
      %dma_start3A_27 = arith.constant 0 : i32
      %dma_start3A_28 = arith.constant 0 : i32
      %dma_start3A_29 = tpu.memref_slice %dma_start3A_26[%dma_start3A_27, %dma_start3A_28] : memref<10000x128xf32, #tpu.memory_space<hbm>> -> memref<10000x128xf32, #tpu.memory_space<hbm>>
      %dma_start3A_30 = tpu.memref_slice %arg11[%dma_start3A_15] : memref<4x!tpu.dma_semaphore, #tpu.memory_space<semaphore_mem>> -> memref<1x!tpu.dma_semaphore, #tpu.memory_space<semaphore_mem>>
      %dma_start3A_31 = tpu.memref_squeeze %dma_start3A_30 : memref<1x!tpu.dma_semaphore, #tpu.memory_space<semaphore_mem>> -> memref<!tpu.dma_semaphore, #tpu.memory_space<semaphore_mem>>
      tpu.enqueue_indirect_dma source(%dma_start3A_29 : memref<10000x128xf32, #tpu.memory_space<hbm>>) target(%dma_start3A_19 : memref<64x128xf32, #tpu.memory_space<vmem>>) offsets(%dma_start3A_22 : memref<64xi32, #tpu.memory_space<vmem>>) semaphore(%dma_start3A_31 : memref<!tpu.dma_semaphore, #tpu.memory_space<semaphore_mem>>)
      %dma_start3A_32 = arith.constant 1 : i32
      %dma_start3A_33 = arith.constant 1 : i32
      %dma_start3A_34 = arith.constant 1 : i32
      %dma_start3A_35 = arith.constant 0 : i32
      %dma_start3A_36 = arith.constant 0 : i32
      %dma_start3A_37 = tpu.memref_slice %arg9[%dma_start3A_33, %dma_start3A_35, %dma_start3A_36] : memref<4x64x128xf32, #tpu.memory_space<vmem>> -> memref<1x64x128xf32, #tpu.memory_space<vmem>>
      %dma_start3A_38 = tpu.memref_squeeze %dma_start3A_37 : memref<1x64x128xf32, #tpu.memory_space<vmem>> -> memref<64x128xf32, #tpu.memory_space<vmem>>
      %dma_start3A_39 = arith.constant 0 : i32
      %dma_start3A_40 = tpu.memref_slice %arg7[%dma_start3A_32, %dma_start3A_39] : memref<40x64xi32, #tpu.memory_space<vmem>> -> memref<1x64xi32, #tpu.memory_space<vmem>>
      %dma_start3A_41 = tpu.memref_squeeze %dma_start3A_40 : memref<1x64xi32, #tpu.memory_space<vmem>> -> memref<64xi32, #tpu.memory_space<vmem>>
      %dma_start3A_42 = arith.constant 0 : i32
      %dma_start3A_43 = arith.constant 0 : i32
      %dma_start3A_44 = tpu.memref_slice %arg2[%arg0, %dma_start3A_42, %dma_start3A_43] : memref<2x10000x128xf32, #tpu.memory_space<hbm>> -> memref<1x10000x128xf32, #tpu.memory_space<hbm>>
      %dma_start3A_45 = tpu.memref_squeeze %dma_start3A_44 : memref<1x10000x128xf32, #tpu.memory_space<hbm>> -> memref<10000x128xf32, #tpu.memory_space<hbm>>
      %dma_start3A_46 = arith.constant 0 : i32
      %dma_start3A_47 = arith.constant 0 : i32
      %dma_start3A_48 = tpu.memref_slice %dma_start3A_45[%dma_start3A_46, %dma_start3A_47] : memref<10000x128xf32, #tpu.memory_space<hbm>> -> memref<10000x128xf32, #tpu.memory_space<hbm>>
      %dma_start3A_49 = tpu.memref_slice %arg11[%dma_start3A_34] : memref<4x!tpu.dma_semaphore, #tpu.memory_space<semaphore_mem>> -> memref<1x!tpu.dma_semaphore, #tpu.memory_space<semaphore_mem>>
      %dma_start3A_50 = tpu.memref_squeeze %dma_start3A_49 : memref<1x!tpu.dma_semaphore, #tpu.memory_space<semaphore_mem>> -> memref<!tpu.dma_semaphore, #tpu.memory_space<semaphore_mem>>
      tpu.enqueue_indirect_dma source(%dma_start3A_48 : memref<10000x128xf32, #tpu.memory_space<hbm>>) target(%dma_start3A_38 : memref<64x128xf32, #tpu.memory_space<vmem>>) offsets(%dma_start3A_41 : memref<64xi32, #tpu.memory_space<vmem>>) semaphore(%dma_start3A_50 : memref<!tpu.dma_semaphore, #tpu.memory_space<semaphore_mem>>)
      %dma_start3A_51 = arith.constant 2 : i32
      %dma_start3A_52 = arith.constant 2 : i32
      %dma_start3A_53 = arith.constant 2 : i32
      %dma_start3A_54 = arith.constant 0 : i32
      %dma_start3A_55 = arith.constant 0 : i32
      %dma_start3A_56 = tpu.memref_slice %arg9[%dma_start3A_52, %dma_start3A_54, %dma_start3A_55] : memref<4x64x128xf32, #tpu.memory_space<vmem>> -> memref<1x64x128xf32, #tpu.memory_space<vmem>>
      %dma_start3A_57 = tpu.memref_squeeze %dma_start3A_56 : memref<1x64x128xf32, #tpu.memory_space<vmem>> -> memref<64x128xf32, #tpu.memory_space<vmem>>
      %dma_start3A_58 = arith.constant 0 : i32
      %dma_start3A_59 = tpu.memref_slice %arg7[%dma_start3A_51, %dma_start3A_58] : memref<40x64xi32, #tpu.memory_space<vmem>> -> memref<1x64xi32, #tpu.memory_space<vmem>>
      %dma_start3A_60 = tpu.memref_squeeze %dma_start3A_59 : memref<1x64xi32, #tpu.memory_space<vmem>> -> memref<64xi32, #tpu.memory_space<vmem>>
      %dma_start3A_61 = arith.constant 0 : i32
      %dma_start3A_62 = arith.constant 0 : i32
      %dma_start3A_63 = tpu.memref_slice %arg2[%arg0, %dma_start3A_61, %dma_start3A_62] : memref<2x10000x128xf32, #tpu.memory_space<hbm>> -> memref<1x10000x128xf32, #tpu.memory_space<hbm>>
      %dma_start3A_64 = tpu.memref_squeeze %dma_start3A_63 : memref<1x10000x128xf32, #tpu.memory_space<hbm>> -> memref<10000x128xf32, #tpu.memory_space<hbm>>
      %dma_start3A_65 = arith.constant 0 : i32
      %dma_start3A_66 = arith.constant 0 : i32
      %dma_start3A_67 = tpu.memref_slice %dma_start3A_64[%dma_start3A_65, %dma_start3A_66] : memref<10000x128xf32, #tpu.memory_space<hbm>> -> memref<10000x128xf32, #tpu.memory_space<hbm>>
      %dma_start3A_68 = tpu.memref_slice %arg11[%dma_start3A_53] : memref<4x!tpu.dma_semaphore, #tpu.memory_space<semaphore_mem>> -> memref<1x!tpu.dma_semaphore, #tpu.memory_space<semaphore_mem>>
      %dma_start3A_69 = tpu.memref_squeeze %dma_start3A_68 : memref<1x!tpu.dma_semaphore, #tpu.memory_space<semaphore_mem>> -> memref<!tpu.dma_semaphore, #tpu.memory_space<semaphore_mem>>
      tpu.enqueue_indirect_dma source(%dma_start3A_67 : memref<10000x128xf32, #tpu.memory_space<hbm>>) target(%dma_start3A_57 : memref<64x128xf32, #tpu.memory_space<vmem>>) offsets(%dma_start3A_60 : memref<64xi32, #tpu.memory_space<vmem>>) semaphore(%dma_start3A_69 : memref<!tpu.dma_semaphore, #tpu.memory_space<semaphore_mem>>)
      %dma_start3A_70 = arith.constant 3 : i32
      %dma_start3A_71 = arith.constant 3 : i32
      %dma_start3A_72 = arith.constant 3 : i32
      %dma_start3A_73 = arith.constant 0 : i32
      %dma_start3A_74 = arith.constant 0 : i32
      %dma_start3A_75 = tpu.memref_slice %arg9[%dma_start3A_71, %dma_start3A_73, %dma_start3A_74] : memref<4x64x128xf32, #tpu.memory_space<vmem>> -> memref<1x64x128xf32, #tpu.memory_space<vmem>>
      %dma_start3A_76 = tpu.memref_squeeze %dma_start3A_75 : memref<1x64x128xf32, #tpu.memory_space<vmem>> -> memref<64x128xf32, #tpu.memory_space<vmem>>
      %dma_start3A_77 = arith.constant 0 : i32
      %dma_start3A_78 = tpu.memref_slice %arg7[%dma_start3A_70, %dma_start3A_77] : memref<40x64xi32, #tpu.memory_space<vmem>> -> memref<1x64xi32, #tpu.memory_space<vmem>>
      %dma_start3A_79 = tpu.memref_squeeze %dma_start3A_78 : memref<1x64xi32, #tpu.memory_space<vmem>> -> memref<64xi32, #tpu.memory_space<vmem>>
      %dma_start3A_80 = arith.constant 0 : i32
      %dma_start3A_81 = arith.constant 0 : i32
      %dma_start3A_82 = tpu.memref_slice %arg2[%arg0, %dma_start3A_80, %dma_start3A_81] : memref<2x10000x128xf32, #tpu.memory_space<hbm>> -> memref<1x10000x128xf32, #tpu.memory_space<hbm>>
      %dma_start3A_83 = tpu.memref_squeeze %dma_start3A_82 : memref<1x10000x128xf32, #tpu.memory_space<hbm>> -> memref<10000x128xf32, #tpu.memory_space<hbm>>
      %dma_start3A_84 = arith.constant 0 : i32
      %dma_start3A_85 = arith.constant 0 : i32
      %dma_start3A_86 = tpu.memref_slice %dma_start3A_83[%dma_start3A_84, %dma_start3A_85] : memref<10000x128xf32, #tpu.memory_space<hbm>> -> memref<10000x128xf32, #tpu.memory_space<hbm>>
      %dma_start3A_87 = tpu.memref_slice %arg11[%dma_start3A_72] : memref<4x!tpu.dma_semaphore, #tpu.memory_space<semaphore_mem>> -> memref<1x!tpu.dma_semaphore, #tpu.memory_space<semaphore_mem>>
      %dma_start3A_88 = tpu.memref_squeeze %dma_start3A_87 : memref<1x!tpu.dma_semaphore, #tpu.memory_space<semaphore_mem>> -> memref<!tpu.dma_semaphore, #tpu.memory_space<semaphore_mem>>
      tpu.enqueue_indirect_dma source(%dma_start3A_86 : memref<10000x128xf32, #tpu.memory_space<hbm>>) target(%dma_start3A_76 : memref<64x128xf32, #tpu.memory_space<vmem>>) offsets(%dma_start3A_79 : memref<64xi32, #tpu.memory_space<vmem>>) semaphore(%dma_start3A_88 : memref<!tpu.dma_semaphore, #tpu.memory_space<semaphore_mem>>)
      %scan3A_89 = arith.constant 0 : i32
      %scan3A_90 = arith.constant 10 : i32
      %scan3A_91 = arith.addi %scan3A_89, %scan3A_90 : i32
      %scan3A_92 = arith.constant 1 : i32
      scf.for %scan3A_94 = %scan3A_89 to %scan3A_91 step %scan3A_92  : i32 {
        %mul3A_95 = arith.constant 1 : i32
        %mul3A_96 = arith.muli %scan3A_94, %mul3A_95 : i32
        %add3A_97 = arith.constant 0 : i32
        %add3A_98 = arith.addi %add3A_97, %mul3A_96 : i32
        %mul3A_99 = arith.constant 4 : i32
        %mul3A_100 = arith.muli %add3A_98, %mul3A_99 : i32
        %add3A_101 = arith.constant 0 : i32
        %add3A_102 = arith.addi %mul3A_100, %add3A_101 : i32
        %dma_wait3A = arith.constant 0 : i32
        %dma_wait3A_103 = arith.constant 0 : i32
        %dma_wait3A_104 = arith.constant 0 : i32
        %dma_wait3A_105 = arith.constant 0 : i32
        %dma_wait3A_106 = tpu.memref_slice %arg9[%dma_wait3A, %dma_wait3A_104, %dma_wait3A_105] : memref<4x64x128xf32, #tpu.memory_space<vmem>> -> memref<1x64x128xf32, #tpu.memory_space<vmem>>
        %dma_wait3A_107 = tpu.memref_squeeze %dma_wait3A_106 : memref<1x64x128xf32, #tpu.memory_space<vmem>> -> memref<64x128xf32, #tpu.memory_space<vmem>>
        %dma_wait3A_108 = arith.constant 0 : i32
        %dma_wait3A_109 = arith.constant 0 : i32
        %dma_wait3A_110 = tpu.memref_slice %arg5[%dma_wait3A_108, %dma_wait3A_109] : memref<640x128xf32, #tpu.memory_space<hbm>> -> memref<64x128xf32, #tpu.memory_space<hbm>>
        %dma_wait3A_111 = tpu.memref_slice %arg11[%dma_wait3A_103] : memref<4x!tpu.dma_semaphore, #tpu.memory_space<semaphore_mem>> -> memref<1x!tpu.dma_semaphore, #tpu.memory_space<semaphore_mem>>
        %dma_wait3A_112 = tpu.memref_squeeze %dma_wait3A_111 : memref<1x!tpu.dma_semaphore, #tpu.memory_space<semaphore_mem>> -> memref<!tpu.dma_semaphore, #tpu.memory_space<semaphore_mem>>
        %dma_wait3A_113 = arith.constant 0 : i32
        %dma_wait3A_114 = arith.constant 0 : i32
        %dma_wait3A_115 = tpu.memref_slice %arg9[%dma_wait3A, %dma_wait3A_113, %dma_wait3A_114] : memref<4x64x128xf32, #tpu.memory_space<vmem>> -> memref<1x64x128xf32, #tpu.memory_space<vmem>>
        %dma_wait3A_116 = tpu.memref_squeeze %dma_wait3A_115 : memref<1x64x128xf32, #tpu.memory_space<vmem>> -> memref<64x128xf32, #tpu.memory_space<vmem>>
        %dma_wait3A_117 = arith.constant 0 : i32
        %dma_wait3A_118 = arith.constant 0 : i32
        %dma_wait3A_119 = tpu.memref_slice %arg5[%dma_wait3A_117, %dma_wait3A_118] : memref<640x128xf32, #tpu.memory_space<hbm>> -> memref<64x128xf32, #tpu.memory_space<hbm>>
        tpu.wait_dma2 semaphore(%dma_wait3A_112 : memref<!tpu.dma_semaphore, #tpu.memory_space<semaphore_mem>>) src(%dma_wait3A_119 : memref<64x128xf32, #tpu.memory_space<hbm>>) dst(%dma_wait3A_116 : memref<64x128xf32, #tpu.memory_space<vmem>>)
        %run_scoped3A = arith.constant 0 : i32
        "tpu.region"() ({
          %run_scoped3A_206 = tpu.sem_alloc : memref<!tpu.dma_semaphore, #tpu.memory_space<semaphore_mem>>
          %dma_start3A_207 = arith.constant 0 : i32
          %dma_start3A_208 = arith.constant 0 : i32
          %dma_start3A_209 = tpu.memref_slice %arg9[%run_scoped3A, %dma_start3A_207, %dma_start3A_208] : memref<4x64x128xf32, #tpu.memory_space<vmem>> -> memref<1x64x128xf32, #tpu.memory_space<vmem>>
          %dma_start3A_210 = tpu.memref_squeeze %dma_start3A_209 : memref<1x64x128xf32, #tpu.memory_space<vmem>> -> memref<64x128xf32, #tpu.memory_space<vmem>>
          %dma_start3A_211 = arith.constant 0 : i32
          %dma_start3A_212 = tpu.memref_slice %arg8[%add3A_102, %dma_start3A_211] : memref<40x64xi32, #tpu.memory_space<vmem>> -> memref<1x64xi32, #tpu.memory_space<vmem>>
          %dma_start3A_213 = tpu.memref_squeeze %dma_start3A_212 : memref<1x64xi32, #tpu.memory_space<vmem>> -> memref<64xi32, #tpu.memory_space<vmem>>
          %dma_start3A_214 = arith.constant 0 : i32
          %dma_start3A_215 = arith.constant 0 : i32
          %dma_start3A_216 = tpu.memref_slice %arg10[%dma_start3A_214, %dma_start3A_215] : memref<10240x128xf32, #tpu.memory_space<vmem_shared>> -> memref<10240x128xf32, #tpu.memory_space<vmem_shared>>
          tpu.enqueue_indirect_dma source(%dma_start3A_210 : memref<64x128xf32, #tpu.memory_space<vmem>>) target(%dma_start3A_216 : memref<10240x128xf32, #tpu.memory_space<vmem_shared>>) offsets(%dma_start3A_213 : memref<64xi32, #tpu.memory_space<vmem>>) semaphore(%run_scoped3A_206 : memref<!tpu.dma_semaphore, #tpu.memory_space<semaphore_mem>>) {add = true}
          %dma_wait3A_217 = arith.constant 0 : i32
          %dma_wait3A_218 = arith.constant 0 : i32
          %dma_wait3A_219 = tpu.memref_slice %arg9[%run_scoped3A, %dma_wait3A_217, %dma_wait3A_218] : memref<4x64x128xf32, #tpu.memory_space<vmem>> -> memref<1x64x128xf32, #tpu.memory_space<vmem>>
          %dma_wait3A_220 = tpu.memref_squeeze %dma_wait3A_219 : memref<1x64x128xf32, #tpu.memory_space<vmem>> -> memref<64x128xf32, #tpu.memory_space<vmem>>
          %dma_wait3A_221 = arith.constant 0 : i32
          %dma_wait3A_222 = tpu.memref_slice %arg8[%add3A_102, %dma_wait3A_221] : memref<40x64xi32, #tpu.memory_space<vmem>> -> memref<1x64xi32, #tpu.memory_space<vmem>>
          %dma_wait3A_223 = tpu.memref_squeeze %dma_wait3A_222 : memref<1x64xi32, #tpu.memory_space<vmem>> -> memref<64xi32, #tpu.memory_space<vmem>>
          %dma_wait3A_224 = arith.constant 0 : i32
          %dma_wait3A_225 = arith.constant 0 : i32
          %dma_wait3A_226 = tpu.memref_slice %arg10[%dma_wait3A_224, %dma_wait3A_225] : memref<10240x128xf32, #tpu.memory_space<vmem_shared>> -> memref<10240x128xf32, #tpu.memory_space<vmem_shared>>
          tpu.wait_indirect_dma semaphore(%run_scoped3A_206 : memref<!tpu.dma_semaphore, #tpu.memory_space<semaphore_mem>>) src(%dma_wait3A_220 : memref<64x128xf32, #tpu.memory_space<vmem>>) dst(%dma_wait3A_226 : memref<10240x128xf32, #tpu.memory_space<vmem_shared>>)
          tpu.yield
        }) : () -> ()
        %lt3A = arith.constant 36 : i32
        %lt3A_120 = arith.cmpi slt, %add3A_102, %lt3A : i32
        %convert_element_type3A = arith.extui %lt3A_120 : i1 to i32
        %cond3A = arith.constant 0 : i32
        %cond3A_121 = arith.cmpi ne, %convert_element_type3A, %cond3A : i32
        scf.if %cond3A_121 {
          %add3A_206 = arith.constant 4 : i32
          %add3A_207 = arith.addi %add3A_102, %add3A_206 : i32
          %dma_start3A_208 = arith.constant 0 : i32
          %dma_start3A_209 = arith.constant 0 : i32
          %dma_start3A_210 = arith.constant 0 : i32
          %dma_start3A_211 = arith.constant 0 : i32
          %dma_start3A_212 = tpu.memref_slice %arg9[%dma_start3A_208, %dma_start3A_210, %dma_start3A_211] : memref<4x64x128xf32, #tpu.memory_space<vmem>> -> memref<1x64x128xf32, #tpu.memory_space<vmem>>
          %dma_start3A_213 = tpu.memref_squeeze %dma_start3A_212 : memref<1x64x128xf32, #tpu.memory_space<vmem>> -> memref<64x128xf32, #tpu.memory_space<vmem>>
          %dma_start3A_214 = arith.constant 0 : i32
          %dma_start3A_215 = tpu.memref_slice %arg7[%add3A_207, %dma_start3A_214] : memref<40x64xi32, #tpu.memory_space<vmem>> -> memref<1x64xi32, #tpu.memory_space<vmem>>
          %dma_start3A_216 = tpu.memref_squeeze %dma_start3A_215 : memref<1x64xi32, #tpu.memory_space<vmem>> -> memref<64xi32, #tpu.memory_space<vmem>>
          %dma_start3A_217 = arith.constant 0 : i32
          %dma_start3A_218 = arith.constant 0 : i32
          %dma_start3A_219 = tpu.memref_slice %arg2[%arg0, %dma_start3A_217, %dma_start3A_218] : memref<2x10000x128xf32, #tpu.memory_space<hbm>> -> memref<1x10000x128xf32, #tpu.memory_space<hbm>>
          %dma_start3A_220 = tpu.memref_squeeze %dma_start3A_219 : memref<1x10000x128xf32, #tpu.memory_space<hbm>> -> memref<10000x128xf32, #tpu.memory_space<hbm>>
          %dma_start3A_221 = arith.constant 0 : i32
          %dma_start3A_222 = arith.constant 0 : i32
          %dma_start3A_223 = tpu.memref_slice %dma_start3A_220[%dma_start3A_221, %dma_start3A_222] : memref<10000x128xf32, #tpu.memory_space<hbm>> -> memref<10000x128xf32, #tpu.memory_space<hbm>>
          %dma_start3A_224 = tpu.memref_slice %arg11[%dma_start3A_209] : memref<4x!tpu.dma_semaphore, #tpu.memory_space<semaphore_mem>> -> memref<1x!tpu.dma_semaphore, #tpu.memory_space<semaphore_mem>>
          %dma_start3A_225 = tpu.memref_squeeze %dma_start3A_224 : memref<1x!tpu.dma_semaphore, #tpu.memory_space<semaphore_mem>> -> memref<!tpu.dma_semaphore, #tpu.memory_space<semaphore_mem>>
          tpu.enqueue_indirect_dma source(%dma_start3A_223 : memref<10000x128xf32, #tpu.memory_space<hbm>>) target(%dma_start3A_213 : memref<64x128xf32, #tpu.memory_space<vmem>>) offsets(%dma_start3A_216 : memref<64xi32, #tpu.memory_space<vmem>>) semaphore(%dma_start3A_225 : memref<!tpu.dma_semaphore, #tpu.memory_space<semaphore_mem>>)
        } else {
        }
        %mul3A_122 = arith.constant 4 : i32
        %mul3A_123 = arith.muli %add3A_98, %mul3A_122 : i32
        %add3A_124 = arith.constant 1 : i32
        %add3A_125 = arith.addi %mul3A_123, %add3A_124 : i32
        %dma_wait3A_126 = arith.constant 1 : i32
        %dma_wait3A_127 = arith.constant 1 : i32
        %dma_wait3A_128 = arith.constant 0 : i32
        %dma_wait3A_129 = arith.constant 0 : i32
        %dma_wait3A_130 = tpu.memref_slice %arg9[%dma_wait3A_126, %dma_wait3A_128, %dma_wait3A_129] : memref<4x64x128xf32, #tpu.memory_space<vmem>> -> memref<1x64x128xf32, #tpu.memory_space<vmem>>
        %dma_wait3A_131 = tpu.memref_squeeze %dma_wait3A_130 : memref<1x64x128xf32, #tpu.memory_space<vmem>> -> memref<64x128xf32, #tpu.memory_space<vmem>>
        %dma_wait3A_132 = arith.constant 0 : i32
        %dma_wait3A_133 = arith.constant 0 : i32
        %dma_wait3A_134 = tpu.memref_slice %arg5[%dma_wait3A_132, %dma_wait3A_133] : memref<640x128xf32, #tpu.memory_space<hbm>> -> memref<64x128xf32, #tpu.memory_space<hbm>>
        %dma_wait3A_135 = tpu.memref_slice %arg11[%dma_wait3A_127] : memref<4x!tpu.dma_semaphore, #tpu.memory_space<semaphore_mem>> -> memref<1x!tpu.dma_semaphore, #tpu.memory_space<semaphore_mem>>
        %dma_wait3A_136 = tpu.memref_squeeze %dma_wait3A_135 : memref<1x!tpu.dma_semaphore, #tpu.memory_space<semaphore_mem>> -> memref<!tpu.dma_semaphore, #tpu.memory_space<semaphore_mem>>
        %dma_wait3A_137 = arith.constant 0 : i32
        %dma_wait3A_138 = arith.constant 0 : i32
        %dma_wait3A_139 = tpu.memref_slice %arg9[%dma_wait3A_126, %dma_wait3A_137, %dma_wait3A_138] : memref<4x64x128xf32, #tpu.memory_space<vmem>> -> memref<1x64x128xf32, #tpu.memory_space<vmem>>
        %dma_wait3A_140 = tpu.memref_squeeze %dma_wait3A_139 : memref<1x64x128xf32, #tpu.memory_space<vmem>> -> memref<64x128xf32, #tpu.memory_space<vmem>>
        %dma_wait3A_141 = arith.constant 0 : i32
        %dma_wait3A_142 = arith.constant 0 : i32
        %dma_wait3A_143 = tpu.memref_slice %arg5[%dma_wait3A_141, %dma_wait3A_142] : memref<640x128xf32, #tpu.memory_space<hbm>> -> memref<64x128xf32, #tpu.memory_space<hbm>>
        tpu.wait_dma2 semaphore(%dma_wait3A_136 : memref<!tpu.dma_semaphore, #tpu.memory_space<semaphore_mem>>) src(%dma_wait3A_143 : memref<64x128xf32, #tpu.memory_space<hbm>>) dst(%dma_wait3A_140 : memref<64x128xf32, #tpu.memory_space<vmem>>)
        %run_scoped3A_144 = arith.constant 1 : i32
        "tpu.region"() ({
          %run_scoped3A_206 = tpu.sem_alloc : memref<!tpu.dma_semaphore, #tpu.memory_space<semaphore_mem>>
          %dma_start3A_207 = arith.constant 0 : i32
          %dma_start3A_208 = arith.constant 0 : i32
          %dma_start3A_209 = tpu.memref_slice %arg9[%run_scoped3A_144, %dma_start3A_207, %dma_start3A_208] : memref<4x64x128xf32, #tpu.memory_space<vmem>> -> memref<1x64x128xf32, #tpu.memory_space<vmem>>
          %dma_start3A_210 = tpu.memref_squeeze %dma_start3A_209 : memref<1x64x128xf32, #tpu.memory_space<vmem>> -> memref<64x128xf32, #tpu.memory_space<vmem>>
          %dma_start3A_211 = arith.constant 0 : i32
          %dma_start3A_212 = tpu.memref_slice %arg8[%add3A_125, %dma_start3A_211] : memref<40x64xi32, #tpu.memory_space<vmem>> -> memref<1x64xi32, #tpu.memory_space<vmem>>
          %dma_start3A_213 = tpu.memref_squeeze %dma_start3A_212 : memref<1x64xi32, #tpu.memory_space<vmem>> -> memref<64xi32, #tpu.memory_space<vmem>>
          %dma_start3A_214 = arith.constant 0 : i32
          %dma_start3A_215 = arith.constant 0 : i32
          %dma_start3A_216 = tpu.memref_slice %arg10[%dma_start3A_214, %dma_start3A_215] : memref<10240x128xf32, #tpu.memory_space<vmem_shared>> -> memref<10240x128xf32, #tpu.memory_space<vmem_shared>>
          tpu.enqueue_indirect_dma source(%dma_start3A_210 : memref<64x128xf32, #tpu.memory_space<vmem>>) target(%dma_start3A_216 : memref<10240x128xf32, #tpu.memory_space<vmem_shared>>) offsets(%dma_start3A_213 : memref<64xi32, #tpu.memory_space<vmem>>) semaphore(%run_scoped3A_206 : memref<!tpu.dma_semaphore, #tpu.memory_space<semaphore_mem>>) {add = true}
          %dma_wait3A_217 = arith.constant 0 : i32
          %dma_wait3A_218 = arith.constant 0 : i32
          %dma_wait3A_219 = tpu.memref_slice %arg9[%run_scoped3A_144, %dma_wait3A_217, %dma_wait3A_218] : memref<4x64x128xf32, #tpu.memory_space<vmem>> -> memref<1x64x128xf32, #tpu.memory_space<vmem>>
          %dma_wait3A_220 = tpu.memref_squeeze %dma_wait3A_219 : memref<1x64x128xf32, #tpu.memory_space<vmem>> -> memref<64x128xf32, #tpu.memory_space<vmem>>
          %dma_wait3A_221 = arith.constant 0 : i32
          %dma_wait3A_222 = tpu.memref_slice %arg8[%add3A_125, %dma_wait3A_221] : memref<40x64xi32, #tpu.memory_space<vmem>> -> memref<1x64xi32, #tpu.memory_space<vmem>>
          %dma_wait3A_223 = tpu.memref_squeeze %dma_wait3A_222 : memref<1x64xi32, #tpu.memory_space<vmem>> -> memref<64xi32, #tpu.memory_space<vmem>>
          %dma_wait3A_224 = arith.constant 0 : i32
          %dma_wait3A_225 = arith.constant 0 : i32
          %dma_wait3A_226 = tpu.memref_slice %arg10[%dma_wait3A_224, %dma_wait3A_225] : memref<10240x128xf32, #tpu.memory_space<vmem_shared>> -> memref<10240x128xf32, #tpu.memory_space<vmem_shared>>
          tpu.wait_indirect_dma semaphore(%run_scoped3A_206 : memref<!tpu.dma_semaphore, #tpu.memory_space<semaphore_mem>>) src(%dma_wait3A_220 : memref<64x128xf32, #tpu.memory_space<vmem>>) dst(%dma_wait3A_226 : memref<10240x128xf32, #tpu.memory_space<vmem_shared>>)
          tpu.yield
        }) : () -> ()
        %lt3A_145 = arith.constant 36 : i32
        %lt3A_146 = arith.cmpi slt, %add3A_125, %lt3A_145 : i32
        %convert_element_type3A_147 = arith.extui %lt3A_146 : i1 to i32
        %cond3A_148 = arith.constant 0 : i32
        %cond3A_149 = arith.cmpi ne, %convert_element_type3A_147, %cond3A_148 : i32
        scf.if %cond3A_149 {
          %add3A_206 = arith.constant 4 : i32
          %add3A_207 = arith.addi %add3A_125, %add3A_206 : i32
          %dma_start3A_208 = arith.constant 1 : i32
          %dma_start3A_209 = arith.constant 1 : i32
          %dma_start3A_210 = arith.constant 0 : i32
          %dma_start3A_211 = arith.constant 0 : i32
          %dma_start3A_212 = tpu.memref_slice %arg9[%dma_start3A_208, %dma_start3A_210, %dma_start3A_211] : memref<4x64x128xf32, #tpu.memory_space<vmem>> -> memref<1x64x128xf32, #tpu.memory_space<vmem>>
          %dma_start3A_213 = tpu.memref_squeeze %dma_start3A_212 : memref<1x64x128xf32, #tpu.memory_space<vmem>> -> memref<64x128xf32, #tpu.memory_space<vmem>>
          %dma_start3A_214 = arith.constant 0 : i32
          %dma_start3A_215 = tpu.memref_slice %arg7[%add3A_207, %dma_start3A_214] : memref<40x64xi32, #tpu.memory_space<vmem>> -> memref<1x64xi32, #tpu.memory_space<vmem>>
          %dma_start3A_216 = tpu.memref_squeeze %dma_start3A_215 : memref<1x64xi32, #tpu.memory_space<vmem>> -> memref<64xi32, #tpu.memory_space<vmem>>
          %dma_start3A_217 = arith.constant 0 : i32
          %dma_start3A_218 = arith.constant 0 : i32
          %dma_start3A_219 = tpu.memref_slice %arg2[%arg0, %dma_start3A_217, %dma_start3A_218] : memref<2x10000x128xf32, #tpu.memory_space<hbm>> -> memref<1x10000x128xf32, #tpu.memory_space<hbm>>
          %dma_start3A_220 = tpu.memref_squeeze %dma_start3A_219 : memref<1x10000x128xf32, #tpu.memory_space<hbm>> -> memref<10000x128xf32, #tpu.memory_space<hbm>>
          %dma_start3A_221 = arith.constant 0 : i32
          %dma_start3A_222 = arith.constant 0 : i32
          %dma_start3A_223 = tpu.memref_slice %dma_start3A_220[%dma_start3A_221, %dma_start3A_222] : memref<10000x128xf32, #tpu.memory_space<hbm>> -> memref<10000x128xf32, #tpu.memory_space<hbm>>
          %dma_start3A_224 = tpu.memref_slice %arg11[%dma_start3A_209] : memref<4x!tpu.dma_semaphore, #tpu.memory_space<semaphore_mem>> -> memref<1x!tpu.dma_semaphore, #tpu.memory_space<semaphore_mem>>
          %dma_start3A_225 = tpu.memref_squeeze %dma_start3A_224 : memref<1x!tpu.dma_semaphore, #tpu.memory_space<semaphore_mem>> -> memref<!tpu.dma_semaphore, #tpu.memory_space<semaphore_mem>>
          tpu.enqueue_indirect_dma source(%dma_start3A_223 : memref<10000x128xf32, #tpu.memory_space<hbm>>) target(%dma_start3A_213 : memref<64x128xf32, #tpu.memory_space<vmem>>) offsets(%dma_start3A_216 : memref<64xi32, #tpu.memory_space<vmem>>) semaphore(%dma_start3A_225 : memref<!tpu.dma_semaphore, #tpu.memory_space<semaphore_mem>>)
        } else {
        }
        %mul3A_150 = arith.constant 4 : i32
        %mul3A_151 = arith.muli %add3A_98, %mul3A_150 : i32
        %add3A_152 = arith.constant 2 : i32
        %add3A_153 = arith.addi %mul3A_151, %add3A_152 : i32
        %dma_wait3A_154 = arith.constant 2 : i32
        %dma_wait3A_155 = arith.constant 2 : i32
        %dma_wait3A_156 = arith.constant 0 : i32
        %dma_wait3A_157 = arith.constant 0 : i32
        %dma_wait3A_158 = tpu.memref_slice %arg9[%dma_wait3A_154, %dma_wait3A_156, %dma_wait3A_157] : memref<4x64x128xf32, #tpu.memory_space<vmem>> -> memref<1x64x128xf32, #tpu.memory_space<vmem>>
        %dma_wait3A_159 = tpu.memref_squeeze %dma_wait3A_158 : memref<1x64x128xf32, #tpu.memory_space<vmem>> -> memref<64x128xf32, #tpu.memory_space<vmem>>
        %dma_wait3A_160 = arith.constant 0 : i32
        %dma_wait3A_161 = arith.constant 0 : i32
        %dma_wait3A_162 = tpu.memref_slice %arg5[%dma_wait3A_160, %dma_wait3A_161] : memref<640x128xf32, #tpu.memory_space<hbm>> -> memref<64x128xf32, #tpu.memory_space<hbm>>
        %dma_wait3A_163 = tpu.memref_slice %arg11[%dma_wait3A_155] : memref<4x!tpu.dma_semaphore, #tpu.memory_space<semaphore_mem>> -> memref<1x!tpu.dma_semaphore, #tpu.memory_space<semaphore_mem>>
        %dma_wait3A_164 = tpu.memref_squeeze %dma_wait3A_163 : memref<1x!tpu.dma_semaphore, #tpu.memory_space<semaphore_mem>> -> memref<!tpu.dma_semaphore, #tpu.memory_space<semaphore_mem>>
        %dma_wait3A_165 = arith.constant 0 : i32
        %dma_wait3A_166 = arith.constant 0 : i32
        %dma_wait3A_167 = tpu.memref_slice %arg9[%dma_wait3A_154, %dma_wait3A_165, %dma_wait3A_166] : memref<4x64x128xf32, #tpu.memory_space<vmem>> -> memref<1x64x128xf32, #tpu.memory_space<vmem>>
        %dma_wait3A_168 = tpu.memref_squeeze %dma_wait3A_167 : memref<1x64x128xf32, #tpu.memory_space<vmem>> -> memref<64x128xf32, #tpu.memory_space<vmem>>
        %dma_wait3A_169 = arith.constant 0 : i32
        %dma_wait3A_170 = arith.constant 0 : i32
        %dma_wait3A_171 = tpu.memref_slice %arg5[%dma_wait3A_169, %dma_wait3A_170] : memref<640x128xf32, #tpu.memory_space<hbm>> -> memref<64x128xf32, #tpu.memory_space<hbm>>
        tpu.wait_dma2 semaphore(%dma_wait3A_164 : memref<!tpu.dma_semaphore, #tpu.memory_space<semaphore_mem>>) src(%dma_wait3A_171 : memref<64x128xf32, #tpu.memory_space<hbm>>) dst(%dma_wait3A_168 : memref<64x128xf32, #tpu.memory_space<vmem>>)
        %run_scoped3A_172 = arith.constant 2 : i32
        "tpu.region"() ({
          %run_scoped3A_206 = tpu.sem_alloc : memref<!tpu.dma_semaphore, #tpu.memory_space<semaphore_mem>>
          %dma_start3A_207 = arith.constant 0 : i32
          %dma_start3A_208 = arith.constant 0 : i32
          %dma_start3A_209 = tpu.memref_slice %arg9[%run_scoped3A_172, %dma_start3A_207, %dma_start3A_208] : memref<4x64x128xf32, #tpu.memory_space<vmem>> -> memref<1x64x128xf32, #tpu.memory_space<vmem>>
          %dma_start3A_210 = tpu.memref_squeeze %dma_start3A_209 : memref<1x64x128xf32, #tpu.memory_space<vmem>> -> memref<64x128xf32, #tpu.memory_space<vmem>>
          %dma_start3A_211 = arith.constant 0 : i32
          %dma_start3A_212 = tpu.memref_slice %arg8[%add3A_153, %dma_start3A_211] : memref<40x64xi32, #tpu.memory_space<vmem>> -> memref<1x64xi32, #tpu.memory_space<vmem>>
          %dma_start3A_213 = tpu.memref_squeeze %dma_start3A_212 : memref<1x64xi32, #tpu.memory_space<vmem>> -> memref<64xi32, #tpu.memory_space<vmem>>
          %dma_start3A_214 = arith.constant 0 : i32
          %dma_start3A_215 = arith.constant 0 : i32
          %dma_start3A_216 = tpu.memref_slice %arg10[%dma_start3A_214, %dma_start3A_215] : memref<10240x128xf32, #tpu.memory_space<vmem_shared>> -> memref<10240x128xf32, #tpu.memory_space<vmem_shared>>
          tpu.enqueue_indirect_dma source(%dma_start3A_210 : memref<64x128xf32, #tpu.memory_space<vmem>>) target(%dma_start3A_216 : memref<10240x128xf32, #tpu.memory_space<vmem_shared>>) offsets(%dma_start3A_213 : memref<64xi32, #tpu.memory_space<vmem>>) semaphore(%run_scoped3A_206 : memref<!tpu.dma_semaphore, #tpu.memory_space<semaphore_mem>>) {add = true}
          %dma_wait3A_217 = arith.constant 0 : i32
          %dma_wait3A_218 = arith.constant 0 : i32
          %dma_wait3A_219 = tpu.memref_slice %arg9[%run_scoped3A_172, %dma_wait3A_217, %dma_wait3A_218] : memref<4x64x128xf32, #tpu.memory_space<vmem>> -> memref<1x64x128xf32, #tpu.memory_space<vmem>>
          %dma_wait3A_220 = tpu.memref_squeeze %dma_wait3A_219 : memref<1x64x128xf32, #tpu.memory_space<vmem>> -> memref<64x128xf32, #tpu.memory_space<vmem>>
          %dma_wait3A_221 = arith.constant 0 : i32
          %dma_wait3A_222 = tpu.memref_slice %arg8[%add3A_153, %dma_wait3A_221] : memref<40x64xi32, #tpu.memory_space<vmem>> -> memref<1x64xi32, #tpu.memory_space<vmem>>
          %dma_wait3A_223 = tpu.memref_squeeze %dma_wait3A_222 : memref<1x64xi32, #tpu.memory_space<vmem>> -> memref<64xi32, #tpu.memory_space<vmem>>
          %dma_wait3A_224 = arith.constant 0 : i32
          %dma_wait3A_225 = arith.constant 0 : i32
          %dma_wait3A_226 = tpu.memref_slice %arg10[%dma_wait3A_224, %dma_wait3A_225] : memref<10240x128xf32, #tpu.memory_space<vmem_shared>> -> memref<10240x128xf32, #tpu.memory_space<vmem_shared>>
          tpu.wait_indirect_dma semaphore(%run_scoped3A_206 : memref<!tpu.dma_semaphore, #tpu.memory_space<semaphore_mem>>) src(%dma_wait3A_220 : memref<64x128xf32, #tpu.memory_space<vmem>>) dst(%dma_wait3A_226 : memref<10240x128xf32, #tpu.memory_space<vmem_shared>>)
          tpu.yield
        }) : () -> ()
        %lt3A_173 = arith.constant 36 : i32
        %lt3A_174 = arith.cmpi slt, %add3A_153, %lt3A_173 : i32
        %convert_element_type3A_175 = arith.extui %lt3A_174 : i1 to i32
        %cond3A_176 = arith.constant 0 : i32
        %cond3A_177 = arith.cmpi ne, %convert_element_type3A_175, %cond3A_176 : i32
        scf.if %cond3A_177 {
          %add3A_206 = arith.constant 4 : i32
          %add3A_207 = arith.addi %add3A_153, %add3A_206 : i32
          %dma_start3A_208 = arith.constant 2 : i32
          %dma_start3A_209 = arith.constant 2 : i32
          %dma_start3A_210 = arith.constant 0 : i32
          %dma_start3A_211 = arith.constant 0 : i32
          %dma_start3A_212 = tpu.memref_slice %arg9[%dma_start3A_208, %dma_start3A_210, %dma_start3A_211] : memref<4x64x128xf32, #tpu.memory_space<vmem>> -> memref<1x64x128xf32, #tpu.memory_space<vmem>>
          %dma_start3A_213 = tpu.memref_squeeze %dma_start3A_212 : memref<1x64x128xf32, #tpu.memory_space<vmem>> -> memref<64x128xf32, #tpu.memory_space<vmem>>
          %dma_start3A_214 = arith.constant 0 : i32
          %dma_start3A_215 = tpu.memref_slice %arg7[%add3A_207, %dma_start3A_214] : memref<40x64xi32, #tpu.memory_space<vmem>> -> memref<1x64xi32, #tpu.memory_space<vmem>>
          %dma_start3A_216 = tpu.memref_squeeze %dma_start3A_215 : memref<1x64xi32, #tpu.memory_space<vmem>> -> memref<64xi32, #tpu.memory_space<vmem>>
          %dma_start3A_217 = arith.constant 0 : i32
          %dma_start3A_218 = arith.constant 0 : i32
          %dma_start3A_219 = tpu.memref_slice %arg2[%arg0, %dma_start3A_217, %dma_start3A_218] : memref<2x10000x128xf32, #tpu.memory_space<hbm>> -> memref<1x10000x128xf32, #tpu.memory_space<hbm>>
          %dma_start3A_220 = tpu.memref_squeeze %dma_start3A_219 : memref<1x10000x128xf32, #tpu.memory_space<hbm>> -> memref<10000x128xf32, #tpu.memory_space<hbm>>
          %dma_start3A_221 = arith.constant 0 : i32
          %dma_start3A_222 = arith.constant 0 : i32
          %dma_start3A_223 = tpu.memref_slice %dma_start3A_220[%dma_start3A_221, %dma_start3A_222] : memref<10000x128xf32, #tpu.memory_space<hbm>> -> memref<10000x128xf32, #tpu.memory_space<hbm>>
          %dma_start3A_224 = tpu.memref_slice %arg11[%dma_start3A_209] : memref<4x!tpu.dma_semaphore, #tpu.memory_space<semaphore_mem>> -> memref<1x!tpu.dma_semaphore, #tpu.memory_space<semaphore_mem>>
          %dma_start3A_225 = tpu.memref_squeeze %dma_start3A_224 : memref<1x!tpu.dma_semaphore, #tpu.memory_space<semaphore_mem>> -> memref<!tpu.dma_semaphore, #tpu.memory_space<semaphore_mem>>
          tpu.enqueue_indirect_dma source(%dma_start3A_223 : memref<10000x128xf32, #tpu.memory_space<hbm>>) target(%dma_start3A_213 : memref<64x128xf32, #tpu.memory_space<vmem>>) offsets(%dma_start3A_216 : memref<64xi32, #tpu.memory_space<vmem>>) semaphore(%dma_start3A_225 : memref<!tpu.dma_semaphore, #tpu.memory_space<semaphore_mem>>)
        } else {
        }
        %mul3A_178 = arith.constant 4 : i32
        %mul3A_179 = arith.muli %add3A_98, %mul3A_178 : i32
        %add3A_180 = arith.constant 3 : i32
        %add3A_181 = arith.addi %mul3A_179, %add3A_180 : i32
        %dma_wait3A_182 = arith.constant 3 : i32
        %dma_wait3A_183 = arith.constant 3 : i32
        %dma_wait3A_184 = arith.constant 0 : i32
        %dma_wait3A_185 = arith.constant 0 : i32
        %dma_wait3A_186 = tpu.memref_slice %arg9[%dma_wait3A_182, %dma_wait3A_184, %dma_wait3A_185] : memref<4x64x128xf32, #tpu.memory_space<vmem>> -> memref<1x64x128xf32, #tpu.memory_space<vmem>>
        %dma_wait3A_187 = tpu.memref_squeeze %dma_wait3A_186 : memref<1x64x128xf32, #tpu.memory_space<vmem>> -> memref<64x128xf32, #tpu.memory_space<vmem>>
        %dma_wait3A_188 = arith.constant 0 : i32
        %dma_wait3A_189 = arith.constant 0 : i32
        %dma_wait3A_190 = tpu.memref_slice %arg5[%dma_wait3A_188, %dma_wait3A_189] : memref<640x128xf32, #tpu.memory_space<hbm>> -> memref<64x128xf32, #tpu.memory_space<hbm>>
        %dma_wait3A_191 = tpu.memref_slice %arg11[%dma_wait3A_183] : memref<4x!tpu.dma_semaphore, #tpu.memory_space<semaphore_mem>> -> memref<1x!tpu.dma_semaphore, #tpu.memory_space<semaphore_mem>>
        %dma_wait3A_192 = tpu.memref_squeeze %dma_wait3A_191 : memref<1x!tpu.dma_semaphore, #tpu.memory_space<semaphore_mem>> -> memref<!tpu.dma_semaphore, #tpu.memory_space<semaphore_mem>>
        %dma_wait3A_193 = arith.constant 0 : i32
        %dma_wait3A_194 = arith.constant 0 : i32
        %dma_wait3A_195 = tpu.memref_slice %arg9[%dma_wait3A_182, %dma_wait3A_193, %dma_wait3A_194] : memref<4x64x128xf32, #tpu.memory_space<vmem>> -> memref<1x64x128xf32, #tpu.memory_space<vmem>>
        %dma_wait3A_196 = tpu.memref_squeeze %dma_wait3A_195 : memref<1x64x128xf32, #tpu.memory_space<vmem>> -> memref<64x128xf32, #tpu.memory_space<vmem>>
        %dma_wait3A_197 = arith.constant 0 : i32
        %dma_wait3A_198 = arith.constant 0 : i32
        %dma_wait3A_199 = tpu.memref_slice %arg5[%dma_wait3A_197, %dma_wait3A_198] : memref<640x128xf32, #tpu.memory_space<hbm>> -> memref<64x128xf32, #tpu.memory_space<hbm>>
        tpu.wait_dma2 semaphore(%dma_wait3A_192 : memref<!tpu.dma_semaphore, #tpu.memory_space<semaphore_mem>>) src(%dma_wait3A_199 : memref<64x128xf32, #tpu.memory_space<hbm>>) dst(%dma_wait3A_196 : memref<64x128xf32, #tpu.memory_space<vmem>>)
        %run_scoped3A_200 = arith.constant 3 : i32
        "tpu.region"() ({
          %run_scoped3A_206 = tpu.sem_alloc : memref<!tpu.dma_semaphore, #tpu.memory_space<semaphore_mem>>
          %dma_start3A_207 = arith.constant 0 : i32
          %dma_start3A_208 = arith.constant 0 : i32
          %dma_start3A_209 = tpu.memref_slice %arg9[%run_scoped3A_200, %dma_start3A_207, %dma_start3A_208] : memref<4x64x128xf32, #tpu.memory_space<vmem>> -> memref<1x64x128xf32, #tpu.memory_space<vmem>>
          %dma_start3A_210 = tpu.memref_squeeze %dma_start3A_209 : memref<1x64x128xf32, #tpu.memory_space<vmem>> -> memref<64x128xf32, #tpu.memory_space<vmem>>
          %dma_start3A_211 = arith.constant 0 : i32
          %dma_start3A_212 = tpu.memref_slice %arg8[%add3A_181, %dma_start3A_211] : memref<40x64xi32, #tpu.memory_space<vmem>> -> memref<1x64xi32, #tpu.memory_space<vmem>>
          %dma_start3A_213 = tpu.memref_squeeze %dma_start3A_212 : memref<1x64xi32, #tpu.memory_space<vmem>> -> memref<64xi32, #tpu.memory_space<vmem>>
          %dma_start3A_214 = arith.constant 0 : i32
          %dma_start3A_215 = arith.constant 0 : i32
          %dma_start3A_216 = tpu.memref_slice %arg10[%dma_start3A_214, %dma_start3A_215] : memref<10240x128xf32, #tpu.memory_space<vmem_shared>> -> memref<10240x128xf32, #tpu.memory_space<vmem_shared>>
          tpu.enqueue_indirect_dma source(%dma_start3A_210 : memref<64x128xf32, #tpu.memory_space<vmem>>) target(%dma_start3A_216 : memref<10240x128xf32, #tpu.memory_space<vmem_shared>>) offsets(%dma_start3A_213 : memref<64xi32, #tpu.memory_space<vmem>>) semaphore(%run_scoped3A_206 : memref<!tpu.dma_semaphore, #tpu.memory_space<semaphore_mem>>) {add = true}
          %dma_wait3A_217 = arith.constant 0 : i32
          %dma_wait3A_218 = arith.constant 0 : i32
          %dma_wait3A_219 = tpu.memref_slice %arg9[%run_scoped3A_200, %dma_wait3A_217, %dma_wait3A_218] : memref<4x64x128xf32, #tpu.memory_space<vmem>> -> memref<1x64x128xf32, #tpu.memory_space<vmem>>
          %dma_wait3A_220 = tpu.memref_squeeze %dma_wait3A_219 : memref<1x64x128xf32, #tpu.memory_space<vmem>> -> memref<64x128xf32, #tpu.memory_space<vmem>>
          %dma_wait3A_221 = arith.constant 0 : i32
          %dma_wait3A_222 = tpu.memref_slice %arg8[%add3A_181, %dma_wait3A_221] : memref<40x64xi32, #tpu.memory_space<vmem>> -> memref<1x64xi32, #tpu.memory_space<vmem>>
          %dma_wait3A_223 = tpu.memref_squeeze %dma_wait3A_222 : memref<1x64xi32, #tpu.memory_space<vmem>> -> memref<64xi32, #tpu.memory_space<vmem>>
          %dma_wait3A_224 = arith.constant 0 : i32
          %dma_wait3A_225 = arith.constant 0 : i32
          %dma_wait3A_226 = tpu.memref_slice %arg10[%dma_wait3A_224, %dma_wait3A_225] : memref<10240x128xf32, #tpu.memory_space<vmem_shared>> -> memref<10240x128xf32, #tpu.memory_space<vmem_shared>>
          tpu.wait_indirect_dma semaphore(%run_scoped3A_206 : memref<!tpu.dma_semaphore, #tpu.memory_space<semaphore_mem>>) src(%dma_wait3A_220 : memref<64x128xf32, #tpu.memory_space<vmem>>) dst(%dma_wait3A_226 : memref<10240x128xf32, #tpu.memory_space<vmem_shared>>)
          tpu.yield
        }) : () -> ()
        %lt3A_201 = arith.constant 36 : i32
        %lt3A_202 = arith.cmpi slt, %add3A_181, %lt3A_201 : i32
        %convert_element_type3A_203 = arith.extui %lt3A_202 : i1 to i32
        %cond3A_204 = arith.constant 0 : i32
        %cond3A_205 = arith.cmpi ne, %convert_element_type3A_203, %cond3A_204 : i32
        scf.if %cond3A_205 {
          %add3A_206 = arith.constant 4 : i32
          %add3A_207 = arith.addi %add3A_181, %add3A_206 : i32
          %dma_start3A_208 = arith.constant 3 : i32
          %dma_start3A_209 = arith.constant 3 : i32
          %dma_start3A_210 = arith.constant 0 : i32
          %dma_start3A_211 = arith.constant 0 : i32
          %dma_start3A_212 = tpu.memref_slice %arg9[%dma_start3A_208, %dma_start3A_210, %dma_start3A_211] : memref<4x64x128xf32, #tpu.memory_space<vmem>> -> memref<1x64x128xf32, #tpu.memory_space<vmem>>
          %dma_start3A_213 = tpu.memref_squeeze %dma_start3A_212 : memref<1x64x128xf32, #tpu.memory_space<vmem>> -> memref<64x128xf32, #tpu.memory_space<vmem>>
          %dma_start3A_214 = arith.constant 0 : i32
          %dma_start3A_215 = tpu.memref_slice %arg7[%add3A_207, %dma_start3A_214] : memref<40x64xi32, #tpu.memory_space<vmem>> -> memref<1x64xi32, #tpu.memory_space<vmem>>
          %dma_start3A_216 = tpu.memref_squeeze %dma_start3A_215 : memref<1x64xi32, #tpu.memory_space<vmem>> -> memref<64xi32, #tpu.memory_space<vmem>>
          %dma_start3A_217 = arith.constant 0 : i32
          %dma_start3A_218 = arith.constant 0 : i32
          %dma_start3A_219 = tpu.memref_slice %arg2[%arg0, %dma_start3A_217, %dma_start3A_218] : memref<2x10000x128xf32, #tpu.memory_space<hbm>> -> memref<1x10000x128xf32, #tpu.memory_space<hbm>>
          %dma_start3A_220 = tpu.memref_squeeze %dma_start3A_219 : memref<1x10000x128xf32, #tpu.memory_space<hbm>> -> memref<10000x128xf32, #tpu.memory_space<hbm>>
          %dma_start3A_221 = arith.constant 0 : i32
          %dma_start3A_222 = arith.constant 0 : i32
          %dma_start3A_223 = tpu.memref_slice %dma_start3A_220[%dma_start3A_221, %dma_start3A_222] : memref<10000x128xf32, #tpu.memory_space<hbm>> -> memref<10000x128xf32, #tpu.memory_space<hbm>>
          %dma_start3A_224 = tpu.memref_slice %arg11[%dma_start3A_209] : memref<4x!tpu.dma_semaphore, #tpu.memory_space<semaphore_mem>> -> memref<1x!tpu.dma_semaphore, #tpu.memory_space<semaphore_mem>>
          %dma_start3A_225 = tpu.memref_squeeze %dma_start3A_224 : memref<1x!tpu.dma_semaphore, #tpu.memory_space<semaphore_mem>> -> memref<!tpu.dma_semaphore, #tpu.memory_space<semaphore_mem>>
          tpu.enqueue_indirect_dma source(%dma_start3A_223 : memref<10000x128xf32, #tpu.memory_space<hbm>>) target(%dma_start3A_213 : memref<64x128xf32, #tpu.memory_space<vmem>>) offsets(%dma_start3A_216 : memref<64xi32, #tpu.memory_space<vmem>>) semaphore(%dma_start3A_225 : memref<!tpu.dma_semaphore, #tpu.memory_space<semaphore_mem>>)
        } else {
        }
      }
      %scan3A_93 = arith.constant 10 : i32
    }
    %scan3A_4 = arith.constant 8 : i32
    %barrier3A_5 = arith.constant 0 : index
    tpu.barrier barrier_id(%barrier3A_5)
    %mul3A_6 = arith.constant 640 : i32
    %mul3A_7 = arith.muli %arg1, %mul3A_6 : i32
    "tpu.region"() ({
      %run_scoped3A = tpu.sem_alloc : memref<!tpu.dma_semaphore, #tpu.memory_space<semaphore_mem>>
      %dma_start3A = arith.constant 0 : i32
      %dma_start3A_8 = tpu.memref_slice %arg6[%arg0, %mul3A_7, %dma_start3A] : memref<2x10240x128xf32, #tpu.memory_space<hbm>> -> memref<1x640x128xf32, #tpu.memory_space<hbm>>
      %dma_start3A_9 = tpu.memref_squeeze %dma_start3A_8 : memref<1x640x128xf32, #tpu.memory_space<hbm>> -> memref<640x128xf32, #tpu.memory_space<hbm>>
      %dma_start3A_10 = arith.constant 0 : i32
      %dma_start3A_11 = tpu.memref_slice %arg10[%mul3A_7, %dma_start3A_10] : memref<10240x128xf32, #tpu.memory_space<vmem_shared>> -> memref<640x128xf32, #tpu.memory_space<vmem_shared>>
      tpu.enqueue_dma source(%dma_start3A_11 : memref<640x128xf32, #tpu.memory_space<vmem_shared>>) target(%dma_start3A_9 : memref<640x128xf32, #tpu.memory_space<hbm>>) target_semaphore(%run_scoped3A : memref<!tpu.dma_semaphore, #tpu.memory_space<semaphore_mem>>)
      %dma_wait3A = arith.constant 0 : i32
      %dma_wait3A_12 = tpu.memref_slice %arg6[%arg0, %mul3A_7, %dma_wait3A] : memref<2x10240x128xf32, #tpu.memory_space<hbm>> -> memref<1x640x128xf32, #tpu.memory_space<hbm>>
      %dma_wait3A_13 = tpu.memref_squeeze %dma_wait3A_12 : memref<1x640x128xf32, #tpu.memory_space<hbm>> -> memref<640x128xf32, #tpu.memory_space<hbm>>
      %dma_wait3A_14 = arith.constant 0 : i32
      %dma_wait3A_15 = tpu.memref_slice %arg10[%mul3A_7, %dma_wait3A_14] : memref<10240x128xf32, #tpu.memory_space<vmem_shared>> -> memref<640x128xf32, #tpu.memory_space<vmem_shared>>
      tpu.wait_dma2 semaphore(%run_scoped3A : memref<!tpu.dma_semaphore, #tpu.memory_space<semaphore_mem>>) src(%dma_wait3A_15 : memref<640x128xf32, #tpu.memory_space<vmem_shared>>) dst(%dma_wait3A_13 : memref<640x128xf32, #tpu.memory_space<hbm>>)
      tpu.yield
    }) : () -> ()
    return
  }
}

#map = affine_map<(d0, d1) -> (0, 0, 0)>
#map1 = affine_map<(d0, d1) -> (0)>
#map2 = affine_map<(d0, d1) -> (0, 0)>
module attributes {stable_mosaic.version = 14 : i64} {
  func.func @_deg_kernel(%arg0: i32, %arg1: i32, %arg2: memref<32x160x64xi32, #tpu.memory_space<hbm>>, %arg3: memref<10240xf32, #tpu.memory_space<hbm>>, %arg4: memref<32x10240xf32, #tpu.memory_space<hbm>>, %arg5: memref<160x64xi32, #tpu.memory_space<vmem>>, %arg6: memref<10240xf32, #tpu.memory_space<vmem>>) attributes {dimension_semantics = [#tpu.dimension_semantics<core_parallel>, #tpu.dimension_semantics<subcore_parallel>], iteration_bounds = array<i64: 2, 16>, scalar_prefetch = 0 : i64, scratch_operands = 2 : i64, tpu.core_type = #tpu.core_type<sc_vector_subcore>, window_params = [{transform_indices = #map}, {transform_indices = #map1}, {transform_indices = #map2}]} {
    %mul3A = arith.constant 16 : i32
    %mul3A_0 = arith.muli %arg0, %mul3A : i32
    %add3A = arith.addi %mul3A_0, %arg1 : i32
    "tpu.region"() ({
      %run_scoped3A = tpu.sem_alloc : memref<!tpu.dma_semaphore, #tpu.memory_space<semaphore_mem>>
      %dma_start3A = arith.constant 0 : i32
      %dma_start3A_6 = arith.constant 0 : i32
      %dma_start3A_7 = tpu.memref_slice %arg2[%add3A, %dma_start3A, %dma_start3A_6] : memref<32x160x64xi32, #tpu.memory_space<hbm>> -> memref<1x160x64xi32, #tpu.memory_space<hbm>>
      %dma_start3A_8 = tpu.memref_squeeze %dma_start3A_7 : memref<1x160x64xi32, #tpu.memory_space<hbm>> -> memref<160x64xi32, #tpu.memory_space<hbm>>
      %dma_start3A_9 = arith.constant 0 : i32
      %dma_start3A_10 = arith.constant 0 : i32
      %dma_start3A_11 = tpu.memref_slice %arg2[%add3A, %dma_start3A_9, %dma_start3A_10] : memref<32x160x64xi32, #tpu.memory_space<hbm>> -> memref<1x160x64xi32, #tpu.memory_space<hbm>>
      %dma_start3A_12 = tpu.memref_squeeze %dma_start3A_11 : memref<1x160x64xi32, #tpu.memory_space<hbm>> -> memref<160x64xi32, #tpu.memory_space<hbm>>
      tpu.enqueue_dma source(%dma_start3A_12 : memref<160x64xi32, #tpu.memory_space<hbm>>) target(%arg5 : memref<160x64xi32, #tpu.memory_space<vmem>>) target_semaphore(%run_scoped3A : memref<!tpu.dma_semaphore, #tpu.memory_space<semaphore_mem>>)
      %dma_wait3A = arith.constant 0 : i32
      %dma_wait3A_13 = arith.constant 0 : i32
      %dma_wait3A_14 = tpu.memref_slice %arg2[%add3A, %dma_wait3A, %dma_wait3A_13] : memref<32x160x64xi32, #tpu.memory_space<hbm>> -> memref<1x160x64xi32, #tpu.memory_space<hbm>>
      %dma_wait3A_15 = tpu.memref_squeeze %dma_wait3A_14 : memref<1x160x64xi32, #tpu.memory_space<hbm>> -> memref<160x64xi32, #tpu.memory_space<hbm>>
      %dma_wait3A_16 = arith.constant 0 : i32
      %dma_wait3A_17 = arith.constant 0 : i32
      %dma_wait3A_18 = tpu.memref_slice %arg2[%add3A, %dma_wait3A_16, %dma_wait3A_17] : memref<32x160x64xi32, #tpu.memory_space<hbm>> -> memref<1x160x64xi32, #tpu.memory_space<hbm>>
      %dma_wait3A_19 = tpu.memref_squeeze %dma_wait3A_18 : memref<1x160x64xi32, #tpu.memory_space<hbm>> -> memref<160x64xi32, #tpu.memory_space<hbm>>
      tpu.wait_dma2 semaphore(%run_scoped3A : memref<!tpu.dma_semaphore, #tpu.memory_space<semaphore_mem>>) src(%dma_wait3A_19 : memref<160x64xi32, #tpu.memory_space<hbm>>) dst(%arg5 : memref<160x64xi32, #tpu.memory_space<vmem>>)
      tpu.yield
    }) : () -> ()
    "tpu.region"() ({
      %run_scoped3A = tpu.sem_alloc : memref<!tpu.dma_semaphore, #tpu.memory_space<semaphore_mem>>
      tpu.enqueue_dma source(%arg3 : memref<10240xf32, #tpu.memory_space<hbm>>) target(%arg6 : memref<10240xf32, #tpu.memory_space<vmem>>) target_semaphore(%run_scoped3A : memref<!tpu.dma_semaphore, #tpu.memory_space<semaphore_mem>>)
      tpu.wait_dma2 semaphore(%run_scoped3A : memref<!tpu.dma_semaphore, #tpu.memory_space<semaphore_mem>>) src(%arg3 : memref<10240xf32, #tpu.memory_space<hbm>>) dst(%arg6 : memref<10240xf32, #tpu.memory_space<vmem>>)
      tpu.yield
    }) : () -> ()
    %broadcast_in_dim3A = arith.constant 1.000000e+00 : f32
    %broadcast_in_dim3A_1 = vector.broadcast %broadcast_in_dim3A : f32 to vector<16xf32>
    %scan3A = arith.constant 0 : i32
    %scan3A_2 = arith.constant 160 : i32
    %scan3A_3 = arith.addi %scan3A, %scan3A_2 : i32
    %scan3A_4 = arith.constant 1 : i32
    scf.for %scan3A_6 = %scan3A to %scan3A_3 step %scan3A_4  : i32 {
      %mul3A_7 = arith.constant 1 : i32
      %mul3A_8 = arith.muli %scan3A_6, %mul3A_7 : i32
      %add3A_9 = arith.constant 0 : i32
      %add3A_10 = arith.addi %add3A_9, %mul3A_8 : i32
      %get3A = arith.index_cast %add3A_10 : i32 to index
      %get3A_11 = arith.constant 0 : index
      %get3A_12 = tpu.vector_load %arg5[%get3A, %get3A_11] {strides = array<i32>} : memref<160x64xi32, #tpu.memory_space<vmem>>, vector<16xi32>,
      tpu.vector_store_idx %arg6[%get3A_12], %broadcast_in_dim3A_1 {add = true} : memref<10240xf32, #tpu.memory_space<vmem>>[vector<16xi32>], vector<16xf32>,
      %get3A_13 = arith.index_cast %add3A_10 : i32 to index
      %get3A_14 = arith.constant 16 : index
      %get3A_15 = tpu.vector_load %arg5[%get3A_13, %get3A_14] {strides = array<i32>} : memref<160x64xi32, #tpu.memory_space<vmem>>, vector<16xi32>,
      tpu.vector_store_idx %arg6[%get3A_15], %broadcast_in_dim3A_1 {add = true} : memref<10240xf32, #tpu.memory_space<vmem>>[vector<16xi32>], vector<16xf32>,
      %get3A_16 = arith.index_cast %add3A_10 : i32 to index
      %get3A_17 = arith.constant 32 : index
      %get3A_18 = tpu.vector_load %arg5[%get3A_16, %get3A_17] {strides = array<i32>} : memref<160x64xi32, #tpu.memory_space<vmem>>, vector<16xi32>,
      tpu.vector_store_idx %arg6[%get3A_18], %broadcast_in_dim3A_1 {add = true} : memref<10240xf32, #tpu.memory_space<vmem>>[vector<16xi32>], vector<16xf32>,
      %get3A_19 = arith.index_cast %add3A_10 : i32 to index
      %get3A_20 = arith.constant 48 : index
      %get3A_21 = tpu.vector_load %arg5[%get3A_19, %get3A_20] {strides = array<i32>} : memref<160x64xi32, #tpu.memory_space<vmem>>, vector<16xi32>,
      tpu.vector_store_idx %arg6[%get3A_21], %broadcast_in_dim3A_1 {add = true} : memref<10240xf32, #tpu.memory_space<vmem>>[vector<16xi32>], vector<16xf32>,
    }
    %scan3A_5 = arith.constant 160 : i32
    "tpu.region"() ({
      %run_scoped3A = tpu.sem_alloc : memref<!tpu.dma_semaphore, #tpu.memory_space<semaphore_mem>>
      %dma_start3A = arith.constant 0 : i32
      %dma_start3A_6 = tpu.memref_slice %arg4[%add3A, %dma_start3A] : memref<32x10240xf32, #tpu.memory_space<hbm>> -> memref<1x10240xf32, #tpu.memory_space<hbm>>
      %dma_start3A_7 = tpu.memref_squeeze %dma_start3A_6 : memref<1x10240xf32, #tpu.memory_space<hbm>> -> memref<10240xf32, #tpu.memory_space<hbm>>
      %dma_start3A_8 = arith.constant 0 : i32
      %dma_start3A_9 = tpu.memref_slice %arg4[%add3A, %dma_start3A_8] : memref<32x10240xf32, #tpu.memory_space<hbm>> -> memref<1x10240xf32, #tpu.memory_space<hbm>>
      %dma_start3A_10 = tpu.memref_squeeze %dma_start3A_9 : memref<1x10240xf32, #tpu.memory_space<hbm>> -> memref<10240xf32, #tpu.memory_space<hbm>>
      tpu.enqueue_dma source(%arg6 : memref<10240xf32, #tpu.memory_space<vmem>>) target(%dma_start3A_10 : memref<10240xf32, #tpu.memory_space<hbm>>) target_semaphore(%run_scoped3A : memref<!tpu.dma_semaphore, #tpu.memory_space<semaphore_mem>>)
      %dma_wait3A = arith.constant 0 : i32
      %dma_wait3A_11 = tpu.memref_slice %arg4[%add3A, %dma_wait3A] : memref<32x10240xf32, #tpu.memory_space<hbm>> -> memref<1x10240xf32, #tpu.memory_space<hbm>>
      %dma_wait3A_12 = tpu.memref_squeeze %dma_wait3A_11 : memref<1x10240xf32, #tpu.memory_space<hbm>> -> memref<10240xf32, #tpu.memory_space<hbm>>
      %dma_wait3A_13 = arith.constant 0 : i32
      %dma_wait3A_14 = tpu.memref_slice %arg4[%add3A, %dma_wait3A_13] : memref<32x10240xf32, #tpu.memory_space<hbm>> -> memref<1x10240xf32, #tpu.memory_space<hbm>>
      %dma_wait3A_15 = tpu.memref_squeeze %dma_wait3A_14 : memref<1x10240xf32, #tpu.memory_space<hbm>> -> memref<10240xf32, #tpu.memory_space<hbm>>
      tpu.wait_dma2 semaphore(%run_scoped3A : memref<!tpu.dma_semaphore, #tpu.memory_space<semaphore_mem>>) src(%arg6 : memref<10240xf32, #tpu.memory_space<vmem>>) dst(%dma_wait3A_15 : memref<10240xf32, #tpu.memory_space<hbm>>)
      tpu.yield
    }) : () -> ()
    return
  }
}

#map = affine_map<(d0, d1) -> (0, 0)>
#map1 = affine_map<(d0, d1) -> (0, 0, 0)>
module attributes {stable_mosaic.version = 14 : i64} {
  func.func @_acc_kernel(%arg0: i32, %arg1: i32, %arg2: memref<10000x128xf32, #tpu.memory_space<hbm>>, %arg3: memref<32x160x64xi32, #tpu.memory_space<hbm>>, %arg4: memref<32x160x64xi32, #tpu.memory_space<hbm>>, %arg5: memref<640x128xf32, #tpu.memory_space<hbm>>, %arg6: memref<2x10240x128xf32, #tpu.memory_space<hbm>>, %arg7: memref<40x64xi32, #tpu.memory_space<vmem>>, %arg8: memref<40x64xi32, #tpu.memory_space<vmem>>, %arg9: memref<4x64x128xf32, #tpu.memory_space<vmem>>, %arg10: memref<10240x128xf32, #tpu.memory_space<vmem_shared>>, %arg11: memref<4x!tpu.dma_semaphore, #tpu.memory_space<semaphore_mem>>) attributes {dimension_semantics = [#tpu.dimension_semantics<core_parallel>, #tpu.dimension_semantics<subcore_parallel>], iteration_bounds = array<i64: 2, 16>, scalar_prefetch = 0 : i64, scratch_operands = 5 : i64, tpu.core_type = #tpu.core_type<sc_vector_subcore>, window_params = [{transform_indices = #map}, {transform_indices = #map1}, {transform_indices = #map1}, {transform_indices = #map}, {transform_indices = #map1}]} {
    %mul3A = arith.constant 16 : i32
    %mul3A_0 = arith.muli %arg0, %mul3A : i32
    %add3A = arith.addi %mul3A_0, %arg1 : i32
    %mul3A_1 = arith.constant 640 : i32
    %mul3A_2 = arith.muli %arg1, %mul3A_1 : i32
    "tpu.region"() ({
      %run_scoped3A = tpu.sem_alloc : memref<!tpu.dma_semaphore, #tpu.memory_space<semaphore_mem>>
      %dma_start3A = arith.constant 0 : i32
      %dma_start3A_10 = tpu.memref_slice %arg10[%mul3A_2, %dma_start3A] : memref<10240x128xf32, #tpu.memory_space<vmem_shared>> -> memref<640x128xf32, #tpu.memory_space<vmem_shared>>
      tpu.enqueue_dma source(%arg5 : memref<640x128xf32, #tpu.memory_space<hbm>>) target(%dma_start3A_10 : memref<640x128xf32, #tpu.memory_space<vmem_shared>>) target_semaphore(%run_scoped3A : memref<!tpu.dma_semaphore, #tpu.memory_space<semaphore_mem>>)
      %dma_wait3A = arith.constant 0 : i32
      %dma_wait3A_11 = tpu.memref_slice %arg10[%mul3A_2, %dma_wait3A] : memref<10240x128xf32, #tpu.memory_space<vmem_shared>> -> memref<640x128xf32, #tpu.memory_space<vmem_shared>>
      tpu.wait_dma2 semaphore(%run_scoped3A : memref<!tpu.dma_semaphore, #tpu.memory_space<semaphore_mem>>) src(%arg5 : memref<640x128xf32, #tpu.memory_space<hbm>>) dst(%dma_wait3A_11 : memref<640x128xf32, #tpu.memory_space<vmem_shared>>)
      tpu.yield
    }) : () -> ()
    %barrier3A = arith.constant 0 : index
    tpu.barrier barrier_id(%barrier3A)
    %scan3A = arith.constant 0 : i32
    %scan3A_3 = arith.constant 4 : i32
    %scan3A_4 = arith.addi %scan3A, %scan3A_3 : i32
    %scan3A_5 = arith.constant 1 : i32
    scf.for %scan3A_10 = %scan3A to %scan3A_4 step %scan3A_5  : i32 {
      %mul3A_11 = arith.constant 1 : i32
      %mul3A_12 = arith.muli %scan3A_10, %mul3A_11 : i32
      %add3A_13 = arith.constant 0 : i32
      %add3A_14 = arith.addi %add3A_13, %mul3A_12 : i32
      %mul3A_15 = arith.constant 40 : i32
      %mul3A_16 = arith.muli %add3A_14, %mul3A_15 : i32
      "tpu.region"() ({
        %run_scoped3A = tpu.sem_alloc : memref<!tpu.dma_semaphore, #tpu.memory_space<semaphore_mem>>
        %dma_start3A_81 = arith.constant 0 : i32
        %dma_start3A_82 = tpu.memref_slice %arg3[%add3A, %mul3A_16, %dma_start3A_81] : memref<32x160x64xi32, #tpu.memory_space<hbm>> -> memref<1x40x64xi32, #tpu.memory_space<hbm>>
        %dma_start3A_83 = tpu.memref_squeeze %dma_start3A_82 : memref<1x40x64xi32, #tpu.memory_space<hbm>> -> memref<40x64xi32, #tpu.memory_space<hbm>>
        %dma_start3A_84 = arith.constant 0 : i32
        %dma_start3A_85 = tpu.memref_slice %arg3[%add3A, %mul3A_16, %dma_start3A_84] : memref<32x160x64xi32, #tpu.memory_space<hbm>> -> memref<1x40x64xi32, #tpu.memory_space<hbm>>
        %dma_start3A_86 = tpu.memref_squeeze %dma_start3A_85 : memref<1x40x64xi32, #tpu.memory_space<hbm>> -> memref<40x64xi32, #tpu.memory_space<hbm>>
        tpu.enqueue_dma source(%dma_start3A_86 : memref<40x64xi32, #tpu.memory_space<hbm>>) target(%arg7 : memref<40x64xi32, #tpu.memory_space<vmem>>) target_semaphore(%run_scoped3A : memref<!tpu.dma_semaphore, #tpu.memory_space<semaphore_mem>>)
        %dma_wait3A = arith.constant 0 : i32
        %dma_wait3A_87 = tpu.memref_slice %arg3[%add3A, %mul3A_16, %dma_wait3A] : memref<32x160x64xi32, #tpu.memory_space<hbm>> -> memref<1x40x64xi32, #tpu.memory_space<hbm>>
        %dma_wait3A_88 = tpu.memref_squeeze %dma_wait3A_87 : memref<1x40x64xi32, #tpu.memory_space<hbm>> -> memref<40x64xi32, #tpu.memory_space<hbm>>
        %dma_wait3A_89 = arith.constant 0 : i32
        %dma_wait3A_90 = tpu.memref_slice %arg3[%add3A, %mul3A_16, %dma_wait3A_89] : memref<32x160x64xi32, #tpu.memory_space<hbm>> -> memref<1x40x64xi32, #tpu.memory_space<hbm>>
        %dma_wait3A_91 = tpu.memref_squeeze %dma_wait3A_90 : memref<1x40x64xi32, #tpu.memory_space<hbm>> -> memref<40x64xi32, #tpu.memory_space<hbm>>
        tpu.wait_dma2 semaphore(%run_scoped3A : memref<!tpu.dma_semaphore, #tpu.memory_space<semaphore_mem>>) src(%dma_wait3A_91 : memref<40x64xi32, #tpu.memory_space<hbm>>) dst(%arg7 : memref<40x64xi32, #tpu.memory_space<vmem>>)
        tpu.yield
      }) : () -> ()
      "tpu.region"() ({
        %run_scoped3A = tpu.sem_alloc : memref<!tpu.dma_semaphore, #tpu.memory_space<semaphore_mem>>
        %dma_start3A_81 = arith.constant 0 : i32
        %dma_start3A_82 = tpu.memref_slice %arg4[%add3A, %mul3A_16, %dma_start3A_81] : memref<32x160x64xi32, #tpu.memory_space<hbm>> -> memref<1x40x64xi32, #tpu.memory_space<hbm>>
        %dma_start3A_83 = tpu.memref_squeeze %dma_start3A_82 : memref<1x40x64xi32, #tpu.memory_space<hbm>> -> memref<40x64xi32, #tpu.memory_space<hbm>>
        %dma_start3A_84 = arith.constant 0 : i32
        %dma_start3A_85 = tpu.memref_slice %arg4[%add3A, %mul3A_16, %dma_start3A_84] : memref<32x160x64xi32, #tpu.memory_space<hbm>> -> memref<1x40x64xi32, #tpu.memory_space<hbm>>
        %dma_start3A_86 = tpu.memref_squeeze %dma_start3A_85 : memref<1x40x64xi32, #tpu.memory_space<hbm>> -> memref<40x64xi32, #tpu.memory_space<hbm>>
        tpu.enqueue_dma source(%dma_start3A_86 : memref<40x64xi32, #tpu.memory_space<hbm>>) target(%arg8 : memref<40x64xi32, #tpu.memory_space<vmem>>) target_semaphore(%run_scoped3A : memref<!tpu.dma_semaphore, #tpu.memory_space<semaphore_mem>>)
        %dma_wait3A = arith.constant 0 : i32
        %dma_wait3A_87 = tpu.memref_slice %arg4[%add3A, %mul3A_16, %dma_wait3A] : memref<32x160x64xi32, #tpu.memory_space<hbm>> -> memref<1x40x64xi32, #tpu.memory_space<hbm>>
        %dma_wait3A_88 = tpu.memref_squeeze %dma_wait3A_87 : memref<1x40x64xi32, #tpu.memory_space<hbm>> -> memref<40x64xi32, #tpu.memory_space<hbm>>
        %dma_wait3A_89 = arith.constant 0 : i32
        %dma_wait3A_90 = tpu.memref_slice %arg4[%add3A, %mul3A_16, %dma_wait3A_89] : memref<32x160x64xi32, #tpu.memory_space<hbm>> -> memref<1x40x64xi32, #tpu.memory_space<hbm>>
        %dma_wait3A_91 = tpu.memref_squeeze %dma_wait3A_90 : memref<1x40x64xi32, #tpu.memory_space<hbm>> -> memref<40x64xi32, #tpu.memory_space<hbm>>
        tpu.wait_dma2 semaphore(%run_scoped3A : memref<!tpu.dma_semaphore, #tpu.memory_space<semaphore_mem>>) src(%dma_wait3A_91 : memref<40x64xi32, #tpu.memory_space<hbm>>) dst(%arg8 : memref<40x64xi32, #tpu.memory_space<vmem>>)
        tpu.yield
      }) : () -> ()
      %dma_start3A = arith.constant 0 : i32
      %dma_start3A_17 = arith.constant 0 : i32
      %dma_start3A_18 = arith.constant 0 : i32
      %dma_start3A_19 = arith.constant 0 : i32
      %dma_start3A_20 = arith.constant 0 : i32
      %dma_start3A_21 = tpu.memref_slice %arg9[%dma_start3A_17, %dma_start3A_19, %dma_start3A_20] : memref<4x64x128xf32, #tpu.memory_space<vmem>> -> memref<1x64x128xf32, #tpu.memory_space<vmem>>
      %dma_start3A_22 = tpu.memref_squeeze %dma_start3A_21 : memref<1x64x128xf32, #tpu.memory_space<vmem>> -> memref<64x128xf32, #tpu.memory_space<vmem>>
      %dma_start3A_23 = arith.constant 0 : i32
      %dma_start3A_24 = tpu.memref_slice %arg7[%dma_start3A, %dma_start3A_23] : memref<40x64xi32, #tpu.memory_space<vmem>> -> memref<1x64xi32, #tpu.memory_space<vmem>>
      %dma_start3A_25 = tpu.memref_squeeze %dma_start3A_24 : memref<1x64xi32, #tpu.memory_space<vmem>> -> memref<64xi32, #tpu.memory_space<vmem>>
      %dma_start3A_26 = arith.constant 0 : i32
      %dma_start3A_27 = arith.constant 0 : i32
      %dma_start3A_28 = tpu.memref_slice %arg2[%dma_start3A_26, %dma_start3A_27] : memref<10000x128xf32, #tpu.memory_space<hbm>> -> memref<10000x128xf32, #tpu.memory_space<hbm>>
      %dma_start3A_29 = tpu.memref_slice %arg11[%dma_start3A_18] : memref<4x!tpu.dma_semaphore, #tpu.memory_space<semaphore_mem>> -> memref<1x!tpu.dma_semaphore, #tpu.memory_space<semaphore_mem>>
      %dma_start3A_30 = tpu.memref_squeeze %dma_start3A_29 : memref<1x!tpu.dma_semaphore, #tpu.memory_space<semaphore_mem>> -> memref<!tpu.dma_semaphore, #tpu.memory_space<semaphore_mem>>
      tpu.enqueue_indirect_dma source(%dma_start3A_28 : memref<10000x128xf32, #tpu.memory_space<hbm>>) target(%dma_start3A_22 : memref<64x128xf32, #tpu.memory_space<vmem>>) offsets(%dma_start3A_25 : memref<64xi32, #tpu.memory_space<vmem>>) semaphore(%dma_start3A_30 : memref<!tpu.dma_semaphore, #tpu.memory_space<semaphore_mem>>)
      %dma_start3A_31 = arith.constant 1 : i32
      %dma_start3A_32 = arith.constant 1 : i32
      %dma_start3A_33 = arith.constant 1 : i32
      %dma_start3A_34 = arith.constant 0 : i32
      %dma_start3A_35 = arith.constant 0 : i32
      %dma_start3A_36 = tpu.memref_slice %arg9[%dma_start3A_32, %dma_start3A_34, %dma_start3A_35] : memref<4x64x128xf32, #tpu.memory_space<vmem>> -> memref<1x64x128xf32, #tpu.memory_space<vmem>>
      %dma_start3A_37 = tpu.memref_squeeze %dma_start3A_36 : memref<1x64x128xf32, #tpu.memory_space<vmem>> -> memref<64x128xf32, #tpu.memory_space<vmem>>
      %dma_start3A_38 = arith.constant 0 : i32
      %dma_start3A_39 = tpu.memref_slice %arg7[%dma_start3A_31, %dma_start3A_38] : memref<40x64xi32, #tpu.memory_space<vmem>> -> memref<1x64xi32, #tpu.memory_space<vmem>>
      %dma_start3A_40 = tpu.memref_squeeze %dma_start3A_39 : memref<1x64xi32, #tpu.memory_space<vmem>> -> memref<64xi32, #tpu.memory_space<vmem>>
      %dma_start3A_41 = arith.constant 0 : i32
      %dma_start3A_42 = arith.constant 0 : i32
      %dma_start3A_43 = tpu.memref_slice %arg2[%dma_start3A_41, %dma_start3A_42] : memref<10000x128xf32, #tpu.memory_space<hbm>> -> memref<10000x128xf32, #tpu.memory_space<hbm>>
      %dma_start3A_44 = tpu.memref_slice %arg11[%dma_start3A_33] : memref<4x!tpu.dma_semaphore, #tpu.memory_space<semaphore_mem>> -> memref<1x!tpu.dma_semaphore, #tpu.memory_space<semaphore_mem>>
      %dma_start3A_45 = tpu.memref_squeeze %dma_start3A_44 : memref<1x!tpu.dma_semaphore, #tpu.memory_space<semaphore_mem>> -> memref<!tpu.dma_semaphore, #tpu.memory_space<semaphore_mem>>
      tpu.enqueue_indirect_dma source(%dma_start3A_43 : memref<10000x128xf32, #tpu.memory_space<hbm>>) target(%dma_start3A_37 : memref<64x128xf32, #tpu.memory_space<vmem>>) offsets(%dma_start3A_40 : memref<64xi32, #tpu.memory_space<vmem>>) semaphore(%dma_start3A_45 : memref<!tpu.dma_semaphore, #tpu.memory_space<semaphore_mem>>)
      %dma_start3A_46 = arith.constant 2 : i32
      %dma_start3A_47 = arith.constant 2 : i32
      %dma_start3A_48 = arith.constant 2 : i32
      %dma_start3A_49 = arith.constant 0 : i32
      %dma_start3A_50 = arith.constant 0 : i32
      %dma_start3A_51 = tpu.memref_slice %arg9[%dma_start3A_47, %dma_start3A_49, %dma_start3A_50] : memref<4x64x128xf32, #tpu.memory_space<vmem>> -> memref<1x64x128xf32, #tpu.memory_space<vmem>>
      %dma_start3A_52 = tpu.memref_squeeze %dma_start3A_51 : memref<1x64x128xf32, #tpu.memory_space<vmem>> -> memref<64x128xf32, #tpu.memory_space<vmem>>
      %dma_start3A_53 = arith.constant 0 : i32
      %dma_start3A_54 = tpu.memref_slice %arg7[%dma_start3A_46, %dma_start3A_53] : memref<40x64xi32, #tpu.memory_space<vmem>> -> memref<1x64xi32, #tpu.memory_space<vmem>>
      %dma_start3A_55 = tpu.memref_squeeze %dma_start3A_54 : memref<1x64xi32, #tpu.memory_space<vmem>> -> memref<64xi32, #tpu.memory_space<vmem>>
      %dma_start3A_56 = arith.constant 0 : i32
      %dma_start3A_57 = arith.constant 0 : i32
      %dma_start3A_58 = tpu.memref_slice %arg2[%dma_start3A_56, %dma_start3A_57] : memref<10000x128xf32, #tpu.memory_space<hbm>> -> memref<10000x128xf32, #tpu.memory_space<hbm>>
      %dma_start3A_59 = tpu.memref_slice %arg11[%dma_start3A_48] : memref<4x!tpu.dma_semaphore, #tpu.memory_space<semaphore_mem>> -> memref<1x!tpu.dma_semaphore, #tpu.memory_space<semaphore_mem>>
      %dma_start3A_60 = tpu.memref_squeeze %dma_start3A_59 : memref<1x!tpu.dma_semaphore, #tpu.memory_space<semaphore_mem>> -> memref<!tpu.dma_semaphore, #tpu.memory_space<semaphore_mem>>
      tpu.enqueue_indirect_dma source(%dma_start3A_58 : memref<10000x128xf32, #tpu.memory_space<hbm>>) target(%dma_start3A_52 : memref<64x128xf32, #tpu.memory_space<vmem>>) offsets(%dma_start3A_55 : memref<64xi32, #tpu.memory_space<vmem>>) semaphore(%dma_start3A_60 : memref<!tpu.dma_semaphore, #tpu.memory_space<semaphore_mem>>)
      %dma_start3A_61 = arith.constant 3 : i32
      %dma_start3A_62 = arith.constant 3 : i32
      %dma_start3A_63 = arith.constant 3 : i32
      %dma_start3A_64 = arith.constant 0 : i32
      %dma_start3A_65 = arith.constant 0 : i32
      %dma_start3A_66 = tpu.memref_slice %arg9[%dma_start3A_62, %dma_start3A_64, %dma_start3A_65] : memref<4x64x128xf32, #tpu.memory_space<vmem>> -> memref<1x64x128xf32, #tpu.memory_space<vmem>>
      %dma_start3A_67 = tpu.memref_squeeze %dma_start3A_66 : memref<1x64x128xf32, #tpu.memory_space<vmem>> -> memref<64x128xf32, #tpu.memory_space<vmem>>
      %dma_start3A_68 = arith.constant 0 : i32
      %dma_start3A_69 = tpu.memref_slice %arg7[%dma_start3A_61, %dma_start3A_68] : memref<40x64xi32, #tpu.memory_space<vmem>> -> memref<1x64xi32, #tpu.memory_space<vmem>>
      %dma_start3A_70 = tpu.memref_squeeze %dma_start3A_69 : memref<1x64xi32, #tpu.memory_space<vmem>> -> memref<64xi32, #tpu.memory_space<vmem>>
      %dma_start3A_71 = arith.constant 0 : i32
      %dma_start3A_72 = arith.constant 0 : i32
      %dma_start3A_73 = tpu.memref_slice %arg2[%dma_start3A_71, %dma_start3A_72] : memref<10000x128xf32, #tpu.memory_space<hbm>> -> memref<10000x128xf32, #tpu.memory_space<hbm>>
      %dma_start3A_74 = tpu.memref_slice %arg11[%dma_start3A_63] : memref<4x!tpu.dma_semaphore, #tpu.memory_space<semaphore_mem>> -> memref<1x!tpu.dma_semaphore, #tpu.memory_space<semaphore_mem>>
      %dma_start3A_75 = tpu.memref_squeeze %dma_start3A_74 : memref<1x!tpu.dma_semaphore, #tpu.memory_space<semaphore_mem>> -> memref<!tpu.dma_semaphore, #tpu.memory_space<semaphore_mem>>
      tpu.enqueue_indirect_dma source(%dma_start3A_73 : memref<10000x128xf32, #tpu.memory_space<hbm>>) target(%dma_start3A_67 : memref<64x128xf32, #tpu.memory_space<vmem>>) offsets(%dma_start3A_70 : memref<64xi32, #tpu.memory_space<vmem>>) semaphore(%dma_start3A_75 : memref<!tpu.dma_semaphore, #tpu.memory_space<semaphore_mem>>)
      %scan3A_76 = arith.constant 0 : i32
      %scan3A_77 = arith.constant 10 : i32
      %scan3A_78 = arith.addi %scan3A_76, %scan3A_77 : i32
      %scan3A_79 = arith.constant 1 : i32
      scf.for %scan3A_81 = %scan3A_76 to %scan3A_78 step %scan3A_79  : i32 {
        %mul3A_82 = arith.constant 1 : i32
        %mul3A_83 = arith.muli %scan3A_81, %mul3A_82 : i32
        %add3A_84 = arith.constant 0 : i32
        %add3A_85 = arith.addi %add3A_84, %mul3A_83 : i32
        %mul3A_86 = arith.constant 4 : i32
        %mul3A_87 = arith.muli %add3A_85, %mul3A_86 : i32
        %add3A_88 = arith.constant 0 : i32
        %add3A_89 = arith.addi %mul3A_87, %add3A_88 : i32
        %dma_wait3A = arith.constant 0 : i32
        %dma_wait3A_90 = arith.constant 0 : i32
        %dma_wait3A_91 = arith.constant 0 : i32
        %dma_wait3A_92 = arith.constant 0 : i32
        %dma_wait3A_93 = tpu.memref_slice %arg9[%dma_wait3A, %dma_wait3A_91, %dma_wait3A_92] : memref<4x64x128xf32, #tpu.memory_space<vmem>> -> memref<1x64x128xf32, #tpu.memory_space<vmem>>
        %dma_wait3A_94 = tpu.memref_squeeze %dma_wait3A_93 : memref<1x64x128xf32, #tpu.memory_space<vmem>> -> memref<64x128xf32, #tpu.memory_space<vmem>>
        %dma_wait3A_95 = arith.constant 0 : i32
        %dma_wait3A_96 = arith.constant 0 : i32
        %dma_wait3A_97 = tpu.memref_slice %arg5[%dma_wait3A_95, %dma_wait3A_96] : memref<640x128xf32, #tpu.memory_space<hbm>> -> memref<64x128xf32, #tpu.memory_space<hbm>>
        %dma_wait3A_98 = tpu.memref_slice %arg11[%dma_wait3A_90] : memref<4x!tpu.dma_semaphore, #tpu.memory_space<semaphore_mem>> -> memref<1x!tpu.dma_semaphore, #tpu.memory_space<semaphore_mem>>
        %dma_wait3A_99 = tpu.memref_squeeze %dma_wait3A_98 : memref<1x!tpu.dma_semaphore, #tpu.memory_space<semaphore_mem>> -> memref<!tpu.dma_semaphore, #tpu.memory_space<semaphore_mem>>
        %dma_wait3A_100 = arith.constant 0 : i32
        %dma_wait3A_101 = arith.constant 0 : i32
        %dma_wait3A_102 = tpu.memref_slice %arg9[%dma_wait3A, %dma_wait3A_100, %dma_wait3A_101] : memref<4x64x128xf32, #tpu.memory_space<vmem>> -> memref<1x64x128xf32, #tpu.memory_space<vmem>>
        %dma_wait3A_103 = tpu.memref_squeeze %dma_wait3A_102 : memref<1x64x128xf32, #tpu.memory_space<vmem>> -> memref<64x128xf32, #tpu.memory_space<vmem>>
        %dma_wait3A_104 = arith.constant 0 : i32
        %dma_wait3A_105 = arith.constant 0 : i32
        %dma_wait3A_106 = tpu.memref_slice %arg5[%dma_wait3A_104, %dma_wait3A_105] : memref<640x128xf32, #tpu.memory_space<hbm>> -> memref<64x128xf32, #tpu.memory_space<hbm>>
        tpu.wait_dma2 semaphore(%dma_wait3A_99 : memref<!tpu.dma_semaphore, #tpu.memory_space<semaphore_mem>>) src(%dma_wait3A_106 : memref<64x128xf32, #tpu.memory_space<hbm>>) dst(%dma_wait3A_103 : memref<64x128xf32, #tpu.memory_space<vmem>>)
        %run_scoped3A = arith.constant 0 : i32
        "tpu.region"() ({
          %run_scoped3A_193 = tpu.sem_alloc : memref<!tpu.dma_semaphore, #tpu.memory_space<semaphore_mem>>
          %dma_start3A_194 = arith.constant 0 : i32
          %dma_start3A_195 = arith.constant 0 : i32
          %dma_start3A_196 = tpu.memref_slice %arg9[%run_scoped3A, %dma_start3A_194, %dma_start3A_195] : memref<4x64x128xf32, #tpu.memory_space<vmem>> -> memref<1x64x128xf32, #tpu.memory_space<vmem>>
          %dma_start3A_197 = tpu.memref_squeeze %dma_start3A_196 : memref<1x64x128xf32, #tpu.memory_space<vmem>> -> memref<64x128xf32, #tpu.memory_space<vmem>>
          %dma_start3A_198 = arith.constant 0 : i32
          %dma_start3A_199 = tpu.memref_slice %arg8[%add3A_89, %dma_start3A_198] : memref<40x64xi32, #tpu.memory_space<vmem>> -> memref<1x64xi32, #tpu.memory_space<vmem>>
          %dma_start3A_200 = tpu.memref_squeeze %dma_start3A_199 : memref<1x64xi32, #tpu.memory_space<vmem>> -> memref<64xi32, #tpu.memory_space<vmem>>
          %dma_start3A_201 = arith.constant 0 : i32
          %dma_start3A_202 = arith.constant 0 : i32
          %dma_start3A_203 = tpu.memref_slice %arg10[%dma_start3A_201, %dma_start3A_202] : memref<10240x128xf32, #tpu.memory_space<vmem_shared>> -> memref<10240x128xf32, #tpu.memory_space<vmem_shared>>
          tpu.enqueue_indirect_dma source(%dma_start3A_197 : memref<64x128xf32, #tpu.memory_space<vmem>>) target(%dma_start3A_203 : memref<10240x128xf32, #tpu.memory_space<vmem_shared>>) offsets(%dma_start3A_200 : memref<64xi32, #tpu.memory_space<vmem>>) semaphore(%run_scoped3A_193 : memref<!tpu.dma_semaphore, #tpu.memory_space<semaphore_mem>>) {add = true}
          %dma_wait3A_204 = arith.constant 0 : i32
          %dma_wait3A_205 = arith.constant 0 : i32
          %dma_wait3A_206 = tpu.memref_slice %arg9[%run_scoped3A, %dma_wait3A_204, %dma_wait3A_205] : memref<4x64x128xf32, #tpu.memory_space<vmem>> -> memref<1x64x128xf32, #tpu.memory_space<vmem>>
          %dma_wait3A_207 = tpu.memref_squeeze %dma_wait3A_206 : memref<1x64x128xf32, #tpu.memory_space<vmem>> -> memref<64x128xf32, #tpu.memory_space<vmem>>
          %dma_wait3A_208 = arith.constant 0 : i32
          %dma_wait3A_209 = tpu.memref_slice %arg8[%add3A_89, %dma_wait3A_208] : memref<40x64xi32, #tpu.memory_space<vmem>> -> memref<1x64xi32, #tpu.memory_space<vmem>>
          %dma_wait3A_210 = tpu.memref_squeeze %dma_wait3A_209 : memref<1x64xi32, #tpu.memory_space<vmem>> -> memref<64xi32, #tpu.memory_space<vmem>>
          %dma_wait3A_211 = arith.constant 0 : i32
          %dma_wait3A_212 = arith.constant 0 : i32
          %dma_wait3A_213 = tpu.memref_slice %arg10[%dma_wait3A_211, %dma_wait3A_212] : memref<10240x128xf32, #tpu.memory_space<vmem_shared>> -> memref<10240x128xf32, #tpu.memory_space<vmem_shared>>
          tpu.wait_indirect_dma semaphore(%run_scoped3A_193 : memref<!tpu.dma_semaphore, #tpu.memory_space<semaphore_mem>>) src(%dma_wait3A_207 : memref<64x128xf32, #tpu.memory_space<vmem>>) dst(%dma_wait3A_213 : memref<10240x128xf32, #tpu.memory_space<vmem_shared>>)
          tpu.yield
        }) : () -> ()
        %lt3A = arith.constant 36 : i32
        %lt3A_107 = arith.cmpi slt, %add3A_89, %lt3A : i32
        %convert_element_type3A = arith.extui %lt3A_107 : i1 to i32
        %cond3A = arith.constant 0 : i32
        %cond3A_108 = arith.cmpi ne, %convert_element_type3A, %cond3A : i32
        scf.if %cond3A_108 {
          %add3A_193 = arith.constant 4 : i32
          %add3A_194 = arith.addi %add3A_89, %add3A_193 : i32
          %dma_start3A_195 = arith.constant 0 : i32
          %dma_start3A_196 = arith.constant 0 : i32
          %dma_start3A_197 = arith.constant 0 : i32
          %dma_start3A_198 = arith.constant 0 : i32
          %dma_start3A_199 = tpu.memref_slice %arg9[%dma_start3A_195, %dma_start3A_197, %dma_start3A_198] : memref<4x64x128xf32, #tpu.memory_space<vmem>> -> memref<1x64x128xf32, #tpu.memory_space<vmem>>
          %dma_start3A_200 = tpu.memref_squeeze %dma_start3A_199 : memref<1x64x128xf32, #tpu.memory_space<vmem>> -> memref<64x128xf32, #tpu.memory_space<vmem>>
          %dma_start3A_201 = arith.constant 0 : i32
          %dma_start3A_202 = tpu.memref_slice %arg7[%add3A_194, %dma_start3A_201] : memref<40x64xi32, #tpu.memory_space<vmem>> -> memref<1x64xi32, #tpu.memory_space<vmem>>
          %dma_start3A_203 = tpu.memref_squeeze %dma_start3A_202 : memref<1x64xi32, #tpu.memory_space<vmem>> -> memref<64xi32, #tpu.memory_space<vmem>>
          %dma_start3A_204 = arith.constant 0 : i32
          %dma_start3A_205 = arith.constant 0 : i32
          %dma_start3A_206 = tpu.memref_slice %arg2[%dma_start3A_204, %dma_start3A_205] : memref<10000x128xf32, #tpu.memory_space<hbm>> -> memref<10000x128xf32, #tpu.memory_space<hbm>>
          %dma_start3A_207 = tpu.memref_slice %arg11[%dma_start3A_196] : memref<4x!tpu.dma_semaphore, #tpu.memory_space<semaphore_mem>> -> memref<1x!tpu.dma_semaphore, #tpu.memory_space<semaphore_mem>>
          %dma_start3A_208 = tpu.memref_squeeze %dma_start3A_207 : memref<1x!tpu.dma_semaphore, #tpu.memory_space<semaphore_mem>> -> memref<!tpu.dma_semaphore, #tpu.memory_space<semaphore_mem>>
          tpu.enqueue_indirect_dma source(%dma_start3A_206 : memref<10000x128xf32, #tpu.memory_space<hbm>>) target(%dma_start3A_200 : memref<64x128xf32, #tpu.memory_space<vmem>>) offsets(%dma_start3A_203 : memref<64xi32, #tpu.memory_space<vmem>>) semaphore(%dma_start3A_208 : memref<!tpu.dma_semaphore, #tpu.memory_space<semaphore_mem>>)
        } else {
        }
        %mul3A_109 = arith.constant 4 : i32
        %mul3A_110 = arith.muli %add3A_85, %mul3A_109 : i32
        %add3A_111 = arith.constant 1 : i32
        %add3A_112 = arith.addi %mul3A_110, %add3A_111 : i32
        %dma_wait3A_113 = arith.constant 1 : i32
        %dma_wait3A_114 = arith.constant 1 : i32
        %dma_wait3A_115 = arith.constant 0 : i32
        %dma_wait3A_116 = arith.constant 0 : i32
        %dma_wait3A_117 = tpu.memref_slice %arg9[%dma_wait3A_113, %dma_wait3A_115, %dma_wait3A_116] : memref<4x64x128xf32, #tpu.memory_space<vmem>> -> memref<1x64x128xf32, #tpu.memory_space<vmem>>
        %dma_wait3A_118 = tpu.memref_squeeze %dma_wait3A_117 : memref<1x64x128xf32, #tpu.memory_space<vmem>> -> memref<64x128xf32, #tpu.memory_space<vmem>>
        %dma_wait3A_119 = arith.constant 0 : i32
        %dma_wait3A_120 = arith.constant 0 : i32
        %dma_wait3A_121 = tpu.memref_slice %arg5[%dma_wait3A_119, %dma_wait3A_120] : memref<640x128xf32, #tpu.memory_space<hbm>> -> memref<64x128xf32, #tpu.memory_space<hbm>>
        %dma_wait3A_122 = tpu.memref_slice %arg11[%dma_wait3A_114] : memref<4x!tpu.dma_semaphore, #tpu.memory_space<semaphore_mem>> -> memref<1x!tpu.dma_semaphore, #tpu.memory_space<semaphore_mem>>
        %dma_wait3A_123 = tpu.memref_squeeze %dma_wait3A_122 : memref<1x!tpu.dma_semaphore, #tpu.memory_space<semaphore_mem>> -> memref<!tpu.dma_semaphore, #tpu.memory_space<semaphore_mem>>
        %dma_wait3A_124 = arith.constant 0 : i32
        %dma_wait3A_125 = arith.constant 0 : i32
        %dma_wait3A_126 = tpu.memref_slice %arg9[%dma_wait3A_113, %dma_wait3A_124, %dma_wait3A_125] : memref<4x64x128xf32, #tpu.memory_space<vmem>> -> memref<1x64x128xf32, #tpu.memory_space<vmem>>
        %dma_wait3A_127 = tpu.memref_squeeze %dma_wait3A_126 : memref<1x64x128xf32, #tpu.memory_space<vmem>> -> memref<64x128xf32, #tpu.memory_space<vmem>>
        %dma_wait3A_128 = arith.constant 0 : i32
        %dma_wait3A_129 = arith.constant 0 : i32
        %dma_wait3A_130 = tpu.memref_slice %arg5[%dma_wait3A_128, %dma_wait3A_129] : memref<640x128xf32, #tpu.memory_space<hbm>> -> memref<64x128xf32, #tpu.memory_space<hbm>>
        tpu.wait_dma2 semaphore(%dma_wait3A_123 : memref<!tpu.dma_semaphore, #tpu.memory_space<semaphore_mem>>) src(%dma_wait3A_130 : memref<64x128xf32, #tpu.memory_space<hbm>>) dst(%dma_wait3A_127 : memref<64x128xf32, #tpu.memory_space<vmem>>)
        %run_scoped3A_131 = arith.constant 1 : i32
        "tpu.region"() ({
          %run_scoped3A_193 = tpu.sem_alloc : memref<!tpu.dma_semaphore, #tpu.memory_space<semaphore_mem>>
          %dma_start3A_194 = arith.constant 0 : i32
          %dma_start3A_195 = arith.constant 0 : i32
          %dma_start3A_196 = tpu.memref_slice %arg9[%run_scoped3A_131, %dma_start3A_194, %dma_start3A_195] : memref<4x64x128xf32, #tpu.memory_space<vmem>> -> memref<1x64x128xf32, #tpu.memory_space<vmem>>
          %dma_start3A_197 = tpu.memref_squeeze %dma_start3A_196 : memref<1x64x128xf32, #tpu.memory_space<vmem>> -> memref<64x128xf32, #tpu.memory_space<vmem>>
          %dma_start3A_198 = arith.constant 0 : i32
          %dma_start3A_199 = tpu.memref_slice %arg8[%add3A_112, %dma_start3A_198] : memref<40x64xi32, #tpu.memory_space<vmem>> -> memref<1x64xi32, #tpu.memory_space<vmem>>
          %dma_start3A_200 = tpu.memref_squeeze %dma_start3A_199 : memref<1x64xi32, #tpu.memory_space<vmem>> -> memref<64xi32, #tpu.memory_space<vmem>>
          %dma_start3A_201 = arith.constant 0 : i32
          %dma_start3A_202 = arith.constant 0 : i32
          %dma_start3A_203 = tpu.memref_slice %arg10[%dma_start3A_201, %dma_start3A_202] : memref<10240x128xf32, #tpu.memory_space<vmem_shared>> -> memref<10240x128xf32, #tpu.memory_space<vmem_shared>>
          tpu.enqueue_indirect_dma source(%dma_start3A_197 : memref<64x128xf32, #tpu.memory_space<vmem>>) target(%dma_start3A_203 : memref<10240x128xf32, #tpu.memory_space<vmem_shared>>) offsets(%dma_start3A_200 : memref<64xi32, #tpu.memory_space<vmem>>) semaphore(%run_scoped3A_193 : memref<!tpu.dma_semaphore, #tpu.memory_space<semaphore_mem>>) {add = true}
          %dma_wait3A_204 = arith.constant 0 : i32
          %dma_wait3A_205 = arith.constant 0 : i32
          %dma_wait3A_206 = tpu.memref_slice %arg9[%run_scoped3A_131, %dma_wait3A_204, %dma_wait3A_205] : memref<4x64x128xf32, #tpu.memory_space<vmem>> -> memref<1x64x128xf32, #tpu.memory_space<vmem>>
          %dma_wait3A_207 = tpu.memref_squeeze %dma_wait3A_206 : memref<1x64x128xf32, #tpu.memory_space<vmem>> -> memref<64x128xf32, #tpu.memory_space<vmem>>
          %dma_wait3A_208 = arith.constant 0 : i32
          %dma_wait3A_209 = tpu.memref_slice %arg8[%add3A_112, %dma_wait3A_208] : memref<40x64xi32, #tpu.memory_space<vmem>> -> memref<1x64xi32, #tpu.memory_space<vmem>>
          %dma_wait3A_210 = tpu.memref_squeeze %dma_wait3A_209 : memref<1x64xi32, #tpu.memory_space<vmem>> -> memref<64xi32, #tpu.memory_space<vmem>>
          %dma_wait3A_211 = arith.constant 0 : i32
          %dma_wait3A_212 = arith.constant 0 : i32
          %dma_wait3A_213 = tpu.memref_slice %arg10[%dma_wait3A_211, %dma_wait3A_212] : memref<10240x128xf32, #tpu.memory_space<vmem_shared>> -> memref<10240x128xf32, #tpu.memory_space<vmem_shared>>
          tpu.wait_indirect_dma semaphore(%run_scoped3A_193 : memref<!tpu.dma_semaphore, #tpu.memory_space<semaphore_mem>>) src(%dma_wait3A_207 : memref<64x128xf32, #tpu.memory_space<vmem>>) dst(%dma_wait3A_213 : memref<10240x128xf32, #tpu.memory_space<vmem_shared>>)
          tpu.yield
        }) : () -> ()
        %lt3A_132 = arith.constant 36 : i32
        %lt3A_133 = arith.cmpi slt, %add3A_112, %lt3A_132 : i32
        %convert_element_type3A_134 = arith.extui %lt3A_133 : i1 to i32
        %cond3A_135 = arith.constant 0 : i32
        %cond3A_136 = arith.cmpi ne, %convert_element_type3A_134, %cond3A_135 : i32
        scf.if %cond3A_136 {
          %add3A_193 = arith.constant 4 : i32
          %add3A_194 = arith.addi %add3A_112, %add3A_193 : i32
          %dma_start3A_195 = arith.constant 1 : i32
          %dma_start3A_196 = arith.constant 1 : i32
          %dma_start3A_197 = arith.constant 0 : i32
          %dma_start3A_198 = arith.constant 0 : i32
          %dma_start3A_199 = tpu.memref_slice %arg9[%dma_start3A_195, %dma_start3A_197, %dma_start3A_198] : memref<4x64x128xf32, #tpu.memory_space<vmem>> -> memref<1x64x128xf32, #tpu.memory_space<vmem>>
          %dma_start3A_200 = tpu.memref_squeeze %dma_start3A_199 : memref<1x64x128xf32, #tpu.memory_space<vmem>> -> memref<64x128xf32, #tpu.memory_space<vmem>>
          %dma_start3A_201 = arith.constant 0 : i32
          %dma_start3A_202 = tpu.memref_slice %arg7[%add3A_194, %dma_start3A_201] : memref<40x64xi32, #tpu.memory_space<vmem>> -> memref<1x64xi32, #tpu.memory_space<vmem>>
          %dma_start3A_203 = tpu.memref_squeeze %dma_start3A_202 : memref<1x64xi32, #tpu.memory_space<vmem>> -> memref<64xi32, #tpu.memory_space<vmem>>
          %dma_start3A_204 = arith.constant 0 : i32
          %dma_start3A_205 = arith.constant 0 : i32
          %dma_start3A_206 = tpu.memref_slice %arg2[%dma_start3A_204, %dma_start3A_205] : memref<10000x128xf32, #tpu.memory_space<hbm>> -> memref<10000x128xf32, #tpu.memory_space<hbm>>
          %dma_start3A_207 = tpu.memref_slice %arg11[%dma_start3A_196] : memref<4x!tpu.dma_semaphore, #tpu.memory_space<semaphore_mem>> -> memref<1x!tpu.dma_semaphore, #tpu.memory_space<semaphore_mem>>
          %dma_start3A_208 = tpu.memref_squeeze %dma_start3A_207 : memref<1x!tpu.dma_semaphore, #tpu.memory_space<semaphore_mem>> -> memref<!tpu.dma_semaphore, #tpu.memory_space<semaphore_mem>>
          tpu.enqueue_indirect_dma source(%dma_start3A_206 : memref<10000x128xf32, #tpu.memory_space<hbm>>) target(%dma_start3A_200 : memref<64x128xf32, #tpu.memory_space<vmem>>) offsets(%dma_start3A_203 : memref<64xi32, #tpu.memory_space<vmem>>) semaphore(%dma_start3A_208 : memref<!tpu.dma_semaphore, #tpu.memory_space<semaphore_mem>>)
        } else {
        }
        %mul3A_137 = arith.constant 4 : i32
        %mul3A_138 = arith.muli %add3A_85, %mul3A_137 : i32
        %add3A_139 = arith.constant 2 : i32
        %add3A_140 = arith.addi %mul3A_138, %add3A_139 : i32
        %dma_wait3A_141 = arith.constant 2 : i32
        %dma_wait3A_142 = arith.constant 2 : i32
        %dma_wait3A_143 = arith.constant 0 : i32
        %dma_wait3A_144 = arith.constant 0 : i32
        %dma_wait3A_145 = tpu.memref_slice %arg9[%dma_wait3A_141, %dma_wait3A_143, %dma_wait3A_144] : memref<4x64x128xf32, #tpu.memory_space<vmem>> -> memref<1x64x128xf32, #tpu.memory_space<vmem>>
        %dma_wait3A_146 = tpu.memref_squeeze %dma_wait3A_145 : memref<1x64x128xf32, #tpu.memory_space<vmem>> -> memref<64x128xf32, #tpu.memory_space<vmem>>
        %dma_wait3A_147 = arith.constant 0 : i32
        %dma_wait3A_148 = arith.constant 0 : i32
        %dma_wait3A_149 = tpu.memref_slice %arg5[%dma_wait3A_147, %dma_wait3A_148] : memref<640x128xf32, #tpu.memory_space<hbm>> -> memref<64x128xf32, #tpu.memory_space<hbm>>
        %dma_wait3A_150 = tpu.memref_slice %arg11[%dma_wait3A_142] : memref<4x!tpu.dma_semaphore, #tpu.memory_space<semaphore_mem>> -> memref<1x!tpu.dma_semaphore, #tpu.memory_space<semaphore_mem>>
        %dma_wait3A_151 = tpu.memref_squeeze %dma_wait3A_150 : memref<1x!tpu.dma_semaphore, #tpu.memory_space<semaphore_mem>> -> memref<!tpu.dma_semaphore, #tpu.memory_space<semaphore_mem>>
        %dma_wait3A_152 = arith.constant 0 : i32
        %dma_wait3A_153 = arith.constant 0 : i32
        %dma_wait3A_154 = tpu.memref_slice %arg9[%dma_wait3A_141, %dma_wait3A_152, %dma_wait3A_153] : memref<4x64x128xf32, #tpu.memory_space<vmem>> -> memref<1x64x128xf32, #tpu.memory_space<vmem>>
        %dma_wait3A_155 = tpu.memref_squeeze %dma_wait3A_154 : memref<1x64x128xf32, #tpu.memory_space<vmem>> -> memref<64x128xf32, #tpu.memory_space<vmem>>
        %dma_wait3A_156 = arith.constant 0 : i32
        %dma_wait3A_157 = arith.constant 0 : i32
        %dma_wait3A_158 = tpu.memref_slice %arg5[%dma_wait3A_156, %dma_wait3A_157] : memref<640x128xf32, #tpu.memory_space<hbm>> -> memref<64x128xf32, #tpu.memory_space<hbm>>
        tpu.wait_dma2 semaphore(%dma_wait3A_151 : memref<!tpu.dma_semaphore, #tpu.memory_space<semaphore_mem>>) src(%dma_wait3A_158 : memref<64x128xf32, #tpu.memory_space<hbm>>) dst(%dma_wait3A_155 : memref<64x128xf32, #tpu.memory_space<vmem>>)
        %run_scoped3A_159 = arith.constant 2 : i32
        "tpu.region"() ({
          %run_scoped3A_193 = tpu.sem_alloc : memref<!tpu.dma_semaphore, #tpu.memory_space<semaphore_mem>>
          %dma_start3A_194 = arith.constant 0 : i32
          %dma_start3A_195 = arith.constant 0 : i32
          %dma_start3A_196 = tpu.memref_slice %arg9[%run_scoped3A_159, %dma_start3A_194, %dma_start3A_195] : memref<4x64x128xf32, #tpu.memory_space<vmem>> -> memref<1x64x128xf32, #tpu.memory_space<vmem>>
          %dma_start3A_197 = tpu.memref_squeeze %dma_start3A_196 : memref<1x64x128xf32, #tpu.memory_space<vmem>> -> memref<64x128xf32, #tpu.memory_space<vmem>>
          %dma_start3A_198 = arith.constant 0 : i32
          %dma_start3A_199 = tpu.memref_slice %arg8[%add3A_140, %dma_start3A_198] : memref<40x64xi32, #tpu.memory_space<vmem>> -> memref<1x64xi32, #tpu.memory_space<vmem>>
          %dma_start3A_200 = tpu.memref_squeeze %dma_start3A_199 : memref<1x64xi32, #tpu.memory_space<vmem>> -> memref<64xi32, #tpu.memory_space<vmem>>
          %dma_start3A_201 = arith.constant 0 : i32
          %dma_start3A_202 = arith.constant 0 : i32
          %dma_start3A_203 = tpu.memref_slice %arg10[%dma_start3A_201, %dma_start3A_202] : memref<10240x128xf32, #tpu.memory_space<vmem_shared>> -> memref<10240x128xf32, #tpu.memory_space<vmem_shared>>
          tpu.enqueue_indirect_dma source(%dma_start3A_197 : memref<64x128xf32, #tpu.memory_space<vmem>>) target(%dma_start3A_203 : memref<10240x128xf32, #tpu.memory_space<vmem_shared>>) offsets(%dma_start3A_200 : memref<64xi32, #tpu.memory_space<vmem>>) semaphore(%run_scoped3A_193 : memref<!tpu.dma_semaphore, #tpu.memory_space<semaphore_mem>>) {add = true}
          %dma_wait3A_204 = arith.constant 0 : i32
          %dma_wait3A_205 = arith.constant 0 : i32
          %dma_wait3A_206 = tpu.memref_slice %arg9[%run_scoped3A_159, %dma_wait3A_204, %dma_wait3A_205] : memref<4x64x128xf32, #tpu.memory_space<vmem>> -> memref<1x64x128xf32, #tpu.memory_space<vmem>>
          %dma_wait3A_207 = tpu.memref_squeeze %dma_wait3A_206 : memref<1x64x128xf32, #tpu.memory_space<vmem>> -> memref<64x128xf32, #tpu.memory_space<vmem>>
          %dma_wait3A_208 = arith.constant 0 : i32
          %dma_wait3A_209 = tpu.memref_slice %arg8[%add3A_140, %dma_wait3A_208] : memref<40x64xi32, #tpu.memory_space<vmem>> -> memref<1x64xi32, #tpu.memory_space<vmem>>
          %dma_wait3A_210 = tpu.memref_squeeze %dma_wait3A_209 : memref<1x64xi32, #tpu.memory_space<vmem>> -> memref<64xi32, #tpu.memory_space<vmem>>
          %dma_wait3A_211 = arith.constant 0 : i32
          %dma_wait3A_212 = arith.constant 0 : i32
          %dma_wait3A_213 = tpu.memref_slice %arg10[%dma_wait3A_211, %dma_wait3A_212] : memref<10240x128xf32, #tpu.memory_space<vmem_shared>> -> memref<10240x128xf32, #tpu.memory_space<vmem_shared>>
          tpu.wait_indirect_dma semaphore(%run_scoped3A_193 : memref<!tpu.dma_semaphore, #tpu.memory_space<semaphore_mem>>) src(%dma_wait3A_207 : memref<64x128xf32, #tpu.memory_space<vmem>>) dst(%dma_wait3A_213 : memref<10240x128xf32, #tpu.memory_space<vmem_shared>>)
          tpu.yield
        }) : () -> ()
        %lt3A_160 = arith.constant 36 : i32
        %lt3A_161 = arith.cmpi slt, %add3A_140, %lt3A_160 : i32
        %convert_element_type3A_162 = arith.extui %lt3A_161 : i1 to i32
        %cond3A_163 = arith.constant 0 : i32
        %cond3A_164 = arith.cmpi ne, %convert_element_type3A_162, %cond3A_163 : i32
        scf.if %cond3A_164 {
          %add3A_193 = arith.constant 4 : i32
          %add3A_194 = arith.addi %add3A_140, %add3A_193 : i32
          %dma_start3A_195 = arith.constant 2 : i32
          %dma_start3A_196 = arith.constant 2 : i32
          %dma_start3A_197 = arith.constant 0 : i32
          %dma_start3A_198 = arith.constant 0 : i32
          %dma_start3A_199 = tpu.memref_slice %arg9[%dma_start3A_195, %dma_start3A_197, %dma_start3A_198] : memref<4x64x128xf32, #tpu.memory_space<vmem>> -> memref<1x64x128xf32, #tpu.memory_space<vmem>>
          %dma_start3A_200 = tpu.memref_squeeze %dma_start3A_199 : memref<1x64x128xf32, #tpu.memory_space<vmem>> -> memref<64x128xf32, #tpu.memory_space<vmem>>
          %dma_start3A_201 = arith.constant 0 : i32
          %dma_start3A_202 = tpu.memref_slice %arg7[%add3A_194, %dma_start3A_201] : memref<40x64xi32, #tpu.memory_space<vmem>> -> memref<1x64xi32, #tpu.memory_space<vmem>>
          %dma_start3A_203 = tpu.memref_squeeze %dma_start3A_202 : memref<1x64xi32, #tpu.memory_space<vmem>> -> memref<64xi32, #tpu.memory_space<vmem>>
          %dma_start3A_204 = arith.constant 0 : i32
          %dma_start3A_205 = arith.constant 0 : i32
          %dma_start3A_206 = tpu.memref_slice %arg2[%dma_start3A_204, %dma_start3A_205] : memref<10000x128xf32, #tpu.memory_space<hbm>> -> memref<10000x128xf32, #tpu.memory_space<hbm>>
          %dma_start3A_207 = tpu.memref_slice %arg11[%dma_start3A_196] : memref<4x!tpu.dma_semaphore, #tpu.memory_space<semaphore_mem>> -> memref<1x!tpu.dma_semaphore, #tpu.memory_space<semaphore_mem>>
          %dma_start3A_208 = tpu.memref_squeeze %dma_start3A_207 : memref<1x!tpu.dma_semaphore, #tpu.memory_space<semaphore_mem>> -> memref<!tpu.dma_semaphore, #tpu.memory_space<semaphore_mem>>
          tpu.enqueue_indirect_dma source(%dma_start3A_206 : memref<10000x128xf32, #tpu.memory_space<hbm>>) target(%dma_start3A_200 : memref<64x128xf32, #tpu.memory_space<vmem>>) offsets(%dma_start3A_203 : memref<64xi32, #tpu.memory_space<vmem>>) semaphore(%dma_start3A_208 : memref<!tpu.dma_semaphore, #tpu.memory_space<semaphore_mem>>)
        } else {
        }
        %mul3A_165 = arith.constant 4 : i32
        %mul3A_166 = arith.muli %add3A_85, %mul3A_165 : i32
        %add3A_167 = arith.constant 3 : i32
        %add3A_168 = arith.addi %mul3A_166, %add3A_167 : i32
        %dma_wait3A_169 = arith.constant 3 : i32
        %dma_wait3A_170 = arith.constant 3 : i32
        %dma_wait3A_171 = arith.constant 0 : i32
        %dma_wait3A_172 = arith.constant 0 : i32
        %dma_wait3A_173 = tpu.memref_slice %arg9[%dma_wait3A_169, %dma_wait3A_171, %dma_wait3A_172] : memref<4x64x128xf32, #tpu.memory_space<vmem>> -> memref<1x64x128xf32, #tpu.memory_space<vmem>>
        %dma_wait3A_174 = tpu.memref_squeeze %dma_wait3A_173 : memref<1x64x128xf32, #tpu.memory_space<vmem>> -> memref<64x128xf32, #tpu.memory_space<vmem>>
        %dma_wait3A_175 = arith.constant 0 : i32
        %dma_wait3A_176 = arith.constant 0 : i32
        %dma_wait3A_177 = tpu.memref_slice %arg5[%dma_wait3A_175, %dma_wait3A_176] : memref<640x128xf32, #tpu.memory_space<hbm>> -> memref<64x128xf32, #tpu.memory_space<hbm>>
        %dma_wait3A_178 = tpu.memref_slice %arg11[%dma_wait3A_170] : memref<4x!tpu.dma_semaphore, #tpu.memory_space<semaphore_mem>> -> memref<1x!tpu.dma_semaphore, #tpu.memory_space<semaphore_mem>>
        %dma_wait3A_179 = tpu.memref_squeeze %dma_wait3A_178 : memref<1x!tpu.dma_semaphore, #tpu.memory_space<semaphore_mem>> -> memref<!tpu.dma_semaphore, #tpu.memory_space<semaphore_mem>>
        %dma_wait3A_180 = arith.constant 0 : i32
        %dma_wait3A_181 = arith.constant 0 : i32
        %dma_wait3A_182 = tpu.memref_slice %arg9[%dma_wait3A_169, %dma_wait3A_180, %dma_wait3A_181] : memref<4x64x128xf32, #tpu.memory_space<vmem>> -> memref<1x64x128xf32, #tpu.memory_space<vmem>>
        %dma_wait3A_183 = tpu.memref_squeeze %dma_wait3A_182 : memref<1x64x128xf32, #tpu.memory_space<vmem>> -> memref<64x128xf32, #tpu.memory_space<vmem>>
        %dma_wait3A_184 = arith.constant 0 : i32
        %dma_wait3A_185 = arith.constant 0 : i32
        %dma_wait3A_186 = tpu.memref_slice %arg5[%dma_wait3A_184, %dma_wait3A_185] : memref<640x128xf32, #tpu.memory_space<hbm>> -> memref<64x128xf32, #tpu.memory_space<hbm>>
        tpu.wait_dma2 semaphore(%dma_wait3A_179 : memref<!tpu.dma_semaphore, #tpu.memory_space<semaphore_mem>>) src(%dma_wait3A_186 : memref<64x128xf32, #tpu.memory_space<hbm>>) dst(%dma_wait3A_183 : memref<64x128xf32, #tpu.memory_space<vmem>>)
        %run_scoped3A_187 = arith.constant 3 : i32
        "tpu.region"() ({
          %run_scoped3A_193 = tpu.sem_alloc : memref<!tpu.dma_semaphore, #tpu.memory_space<semaphore_mem>>
          %dma_start3A_194 = arith.constant 0 : i32
          %dma_start3A_195 = arith.constant 0 : i32
          %dma_start3A_196 = tpu.memref_slice %arg9[%run_scoped3A_187, %dma_start3A_194, %dma_start3A_195] : memref<4x64x128xf32, #tpu.memory_space<vmem>> -> memref<1x64x128xf32, #tpu.memory_space<vmem>>
          %dma_start3A_197 = tpu.memref_squeeze %dma_start3A_196 : memref<1x64x128xf32, #tpu.memory_space<vmem>> -> memref<64x128xf32, #tpu.memory_space<vmem>>
          %dma_start3A_198 = arith.constant 0 : i32
          %dma_start3A_199 = tpu.memref_slice %arg8[%add3A_168, %dma_start3A_198] : memref<40x64xi32, #tpu.memory_space<vmem>> -> memref<1x64xi32, #tpu.memory_space<vmem>>
          %dma_start3A_200 = tpu.memref_squeeze %dma_start3A_199 : memref<1x64xi32, #tpu.memory_space<vmem>> -> memref<64xi32, #tpu.memory_space<vmem>>
          %dma_start3A_201 = arith.constant 0 : i32
          %dma_start3A_202 = arith.constant 0 : i32
          %dma_start3A_203 = tpu.memref_slice %arg10[%dma_start3A_201, %dma_start3A_202] : memref<10240x128xf32, #tpu.memory_space<vmem_shared>> -> memref<10240x128xf32, #tpu.memory_space<vmem_shared>>
          tpu.enqueue_indirect_dma source(%dma_start3A_197 : memref<64x128xf32, #tpu.memory_space<vmem>>) target(%dma_start3A_203 : memref<10240x128xf32, #tpu.memory_space<vmem_shared>>) offsets(%dma_start3A_200 : memref<64xi32, #tpu.memory_space<vmem>>) semaphore(%run_scoped3A_193 : memref<!tpu.dma_semaphore, #tpu.memory_space<semaphore_mem>>) {add = true}
          %dma_wait3A_204 = arith.constant 0 : i32
          %dma_wait3A_205 = arith.constant 0 : i32
          %dma_wait3A_206 = tpu.memref_slice %arg9[%run_scoped3A_187, %dma_wait3A_204, %dma_wait3A_205] : memref<4x64x128xf32, #tpu.memory_space<vmem>> -> memref<1x64x128xf32, #tpu.memory_space<vmem>>
          %dma_wait3A_207 = tpu.memref_squeeze %dma_wait3A_206 : memref<1x64x128xf32, #tpu.memory_space<vmem>> -> memref<64x128xf32, #tpu.memory_space<vmem>>
          %dma_wait3A_208 = arith.constant 0 : i32
          %dma_wait3A_209 = tpu.memref_slice %arg8[%add3A_168, %dma_wait3A_208] : memref<40x64xi32, #tpu.memory_space<vmem>> -> memref<1x64xi32, #tpu.memory_space<vmem>>
          %dma_wait3A_210 = tpu.memref_squeeze %dma_wait3A_209 : memref<1x64xi32, #tpu.memory_space<vmem>> -> memref<64xi32, #tpu.memory_space<vmem>>
          %dma_wait3A_211 = arith.constant 0 : i32
          %dma_wait3A_212 = arith.constant 0 : i32
          %dma_wait3A_213 = tpu.memref_slice %arg10[%dma_wait3A_211, %dma_wait3A_212] : memref<10240x128xf32, #tpu.memory_space<vmem_shared>> -> memref<10240x128xf32, #tpu.memory_space<vmem_shared>>
          tpu.wait_indirect_dma semaphore(%run_scoped3A_193 : memref<!tpu.dma_semaphore, #tpu.memory_space<semaphore_mem>>) src(%dma_wait3A_207 : memref<64x128xf32, #tpu.memory_space<vmem>>) dst(%dma_wait3A_213 : memref<10240x128xf32, #tpu.memory_space<vmem_shared>>)
          tpu.yield
        }) : () -> ()
        %lt3A_188 = arith.constant 36 : i32
        %lt3A_189 = arith.cmpi slt, %add3A_168, %lt3A_188 : i32
        %convert_element_type3A_190 = arith.extui %lt3A_189 : i1 to i32
        %cond3A_191 = arith.constant 0 : i32
        %cond3A_192 = arith.cmpi ne, %convert_element_type3A_190, %cond3A_191 : i32
        scf.if %cond3A_192 {
          %add3A_193 = arith.constant 4 : i32
          %add3A_194 = arith.addi %add3A_168, %add3A_193 : i32
          %dma_start3A_195 = arith.constant 3 : i32
          %dma_start3A_196 = arith.constant 3 : i32
          %dma_start3A_197 = arith.constant 0 : i32
          %dma_start3A_198 = arith.constant 0 : i32
          %dma_start3A_199 = tpu.memref_slice %arg9[%dma_start3A_195, %dma_start3A_197, %dma_start3A_198] : memref<4x64x128xf32, #tpu.memory_space<vmem>> -> memref<1x64x128xf32, #tpu.memory_space<vmem>>
          %dma_start3A_200 = tpu.memref_squeeze %dma_start3A_199 : memref<1x64x128xf32, #tpu.memory_space<vmem>> -> memref<64x128xf32, #tpu.memory_space<vmem>>
          %dma_start3A_201 = arith.constant 0 : i32
          %dma_start3A_202 = tpu.memref_slice %arg7[%add3A_194, %dma_start3A_201] : memref<40x64xi32, #tpu.memory_space<vmem>> -> memref<1x64xi32, #tpu.memory_space<vmem>>
          %dma_start3A_203 = tpu.memref_squeeze %dma_start3A_202 : memref<1x64xi32, #tpu.memory_space<vmem>> -> memref<64xi32, #tpu.memory_space<vmem>>
          %dma_start3A_204 = arith.constant 0 : i32
          %dma_start3A_205 = arith.constant 0 : i32
          %dma_start3A_206 = tpu.memref_slice %arg2[%dma_start3A_204, %dma_start3A_205] : memref<10000x128xf32, #tpu.memory_space<hbm>> -> memref<10000x128xf32, #tpu.memory_space<hbm>>
          %dma_start3A_207 = tpu.memref_slice %arg11[%dma_start3A_196] : memref<4x!tpu.dma_semaphore, #tpu.memory_space<semaphore_mem>> -> memref<1x!tpu.dma_semaphore, #tpu.memory_space<semaphore_mem>>
          %dma_start3A_208 = tpu.memref_squeeze %dma_start3A_207 : memref<1x!tpu.dma_semaphore, #tpu.memory_space<semaphore_mem>> -> memref<!tpu.dma_semaphore, #tpu.memory_space<semaphore_mem>>
          tpu.enqueue_indirect_dma source(%dma_start3A_206 : memref<10000x128xf32, #tpu.memory_space<hbm>>) target(%dma_start3A_200 : memref<64x128xf32, #tpu.memory_space<vmem>>) offsets(%dma_start3A_203 : memref<64xi32, #tpu.memory_space<vmem>>) semaphore(%dma_start3A_208 : memref<!tpu.dma_semaphore, #tpu.memory_space<semaphore_mem>>)
        } else {
        }
      }
      %scan3A_80 = arith.constant 10 : i32
    }
    %scan3A_6 = arith.constant 4 : i32
    %barrier3A_7 = arith.constant 0 : index
    tpu.barrier barrier_id(%barrier3A_7)
    %mul3A_8 = arith.constant 640 : i32
    %mul3A_9 = arith.muli %arg1, %mul3A_8 : i32
    "tpu.region"() ({
      %run_scoped3A = tpu.sem_alloc : memref<!tpu.dma_semaphore, #tpu.memory_space<semaphore_mem>>
      %dma_start3A = arith.constant 0 : i32
      %dma_start3A_10 = tpu.memref_slice %arg6[%arg0, %mul3A_9, %dma_start3A] : memref<2x10240x128xf32, #tpu.memory_space<hbm>> -> memref<1x640x128xf32, #tpu.memory_space<hbm>>
      %dma_start3A_11 = tpu.memref_squeeze %dma_start3A_10 : memref<1x640x128xf32, #tpu.memory_space<hbm>> -> memref<640x128xf32, #tpu.memory_space<hbm>>
      %dma_start3A_12 = arith.constant 0 : i32
      %dma_start3A_13 = tpu.memref_slice %arg10[%mul3A_9, %dma_start3A_12] : memref<10240x128xf32, #tpu.memory_space<vmem_shared>> -> memref<640x128xf32, #tpu.memory_space<vmem_shared>>
      tpu.enqueue_dma source(%dma_start3A_13 : memref<640x128xf32, #tpu.memory_space<vmem_shared>>) target(%dma_start3A_11 : memref<640x128xf32, #tpu.memory_space<hbm>>) target_semaphore(%run_scoped3A : memref<!tpu.dma_semaphore, #tpu.memory_space<semaphore_mem>>)
      %dma_wait3A = arith.constant 0 : i32
      %dma_wait3A_14 = tpu.memref_slice %arg6[%arg0, %mul3A_9, %dma_wait3A] : memref<2x10240x128xf32, #tpu.memory_space<hbm>> -> memref<1x640x128xf32, #tpu.memory_space<hbm>>
      %dma_wait3A_15 = tpu.memref_squeeze %dma_wait3A_14 : memref<1x640x128xf32, #tpu.memory_space<hbm>> -> memref<640x128xf32, #tpu.memory_space<hbm>>
      %dma_wait3A_16 = arith.constant 0 : i32
      %dma_wait3A_17 = tpu.memref_slice %arg10[%mul3A_9, %dma_wait3A_16] : memref<10240x128xf32, #tpu.memory_space<vmem_shared>> -> memref<640x128xf32, #tpu.memory_space<vmem_shared>>
      tpu.wait_dma2 semaphore(%run_scoped3A : memref<!tpu.dma_semaphore, #tpu.memory_space<semaphore_mem>>) src(%dma_wait3A_17 : memref<640x128xf32, #tpu.memory_space<vmem_shared>>) dst(%dma_wait3A_15 : memref<640x128xf32, #tpu.memory_space<hbm>>)
      tpu.yield
    }) : () -> ()
    return
  }
}

module attributes {stable_mosaic.version = 14 : i64} {
  func.func @_mm1_body(%arg0: i32, %arg1: i32, %arg2: memref<400x128xf32, #tpu.memory_space<vmem>>, %arg3: memref<128x128xf32, #tpu.memory_space<vmem>>, %arg4: memref<1x400x128xf32, #tpu.memory_space<vmem>>) attributes {dimension_semantics = [#tpu.dimension_semantics<arbitrary>, #tpu.dimension_semantics<arbitrary>], iteration_bounds = array<i64: 25, 2>, scalar_prefetch = 0 : i64, scratch_operands = 0 : i64, tpu.core_type = #tpu.core_type<tc>, window_params = [{transform_indices = @transform_0, window_bounds = array<i64: 400, 128>}, {transform_indices = @transform_1, window_bounds = array<i64: 128, 128>}, {transform_indices = @transform_2, window_bounds = array<i64: 1, 400, 128>}]} {
    %get3A = arith.constant 0 : index
    %get3A_0 = arith.constant 0 : index
    %get3A_1 = vector.load %arg2[%get3A, %get3A_0] : memref<400x128xf32, #tpu.memory_space<vmem>>, vector<400x128xf32>
    %get3A_2 = arith.constant 0 : index
    %get3A_3 = arith.constant 0 : index
    %get3A_4 = vector.load %arg3[%get3A_2, %get3A_3] : memref<128x128xf32, #tpu.memory_space<vmem>>, vector<128x128xf32>
    %dot_general3A = arith.constant dense<0.000000e+00> : vector<400x128xf32>
    %dot_general3A_5 = tpu.matmul %get3A_1, %get3A_4, %dot_general3A {dimension_numbers = #tpu.dot_dimension_numbers<[1], [0], [0], [1], [0, 0, 1, 1], [], []>, transpose_lhs_hint = false} : vector<400x128xf32>, vector<128x128xf32>, vector<400x128xf32> -> vector<400x128xf32>
    %broadcast_in_dim3A = vector.shape_cast %dot_general3A_5 : vector<400x128xf32> to vector<1x400x128xf32>
    %swap3A = arith.constant 0 : index
    %swap3A_6 = arith.constant 0 : index
    %swap3A_7 = arith.constant 0 : index
    %swap3A_8 = vector.load %arg4[%swap3A, %swap3A_6, %swap3A_7] : memref<1x400x128xf32, #tpu.memory_space<vmem>>, vector<1x400x128xf32>
    tpu.vector_store %arg4[%swap3A, %swap3A_6, %swap3A_7], %broadcast_in_dim3A {strides = array<i32>} : memref<1x400x128xf32, #tpu.memory_space<vmem>>, vector<1x400x128xf32>,
    return
  }
  func.func @transform_0(%arg0: i32, %arg1: i32) -> (i32, i32) {
    %c0_i32 = arith.constant 0 : i32
    %c0_i32_0 = arith.constant 0 : i32
    return %arg0, %c0_i32 : i32, i32
  }
  func.func @transform_1(%arg0: i32, %arg1: i32) -> (i32, i32) {
    %c0_i32 = arith.constant 0 : i32
    %c0_i32_0 = arith.constant 0 : i32
    return %c0_i32, %arg1 : i32, i32
  }
  func.func @transform_2(%arg0: i32, %arg1: i32) -> (i32, i32, i32) {
    %c0_i32 = arith.constant 0 : i32
    %c0_i32_0 = arith.constant 0 : i32
    return %arg1, %arg0, %c0_i32 : i32, i32, i32
  }
}

module attributes {stable_mosaic.version = 14 : i64} {
  func.func @_dinv_body(%arg0: memref<32x10240xf32, #tpu.memory_space<vmem>>, %arg1: memref<10240x1xf32, #tpu.memory_space<vmem>>) attributes {dimension_semantics = [], scalar_prefetch = 0 : i64, scratch_operands = 0 : i64, tpu.core_type = #tpu.core_type<tc>} {
    %get3A = arith.constant 0 : index
    %get3A_0 = arith.constant 0 : index
    %get3A_1 = vector.load %arg0[%get3A, %get3A_0] : memref<32x10240xf32, #tpu.memory_space<vmem>>, vector<32x10240xf32>
    %reduce_sum3A = arith.constant dense<0.000000e+00> : vector<10240xf32>
    %reduce_sum3A_2 = vector.multi_reduction <add>, %get3A_1, %reduce_sum3A [0] : vector<32x10240xf32> to vector<10240xf32>
    %add3A = arith.constant 1.000000e+00 : f32
    %add3A_3 = vector.broadcast %add3A : f32 to vector<10240xf32>
    %add3A_4 = arith.addf %reduce_sum3A_2, %add3A_3 : vector<10240xf32>
    %rsqrt3A = math.rsqrt %add3A_4 : vector<10240xf32>
    %broadcast_in_dim3A = vector.shape_cast %rsqrt3A : vector<10240xf32> to vector<10240x1xf32>
    %swap3A = arith.constant 0 : index
    %swap3A_5 = arith.constant 0 : index
    %swap3A_6 = vector.load %arg1[%swap3A, %swap3A_5] : memref<10240x1xf32, #tpu.memory_space<vmem>>, vector<10240x1xf32>
    tpu.vector_store %arg1[%swap3A, %swap3A_5], %broadcast_in_dim3A {strides = array<i32>} : memref<10240x1xf32, #tpu.memory_space<vmem>>, vector<10240x1xf32>,
    return
  }
}

module attributes {stable_mosaic.version = 14 : i64} {
  func.func @_scale_body(%arg0: i32, %arg1: i32, %arg2: memref<1x400x128xf32, #tpu.memory_space<vmem>>, %arg3: memref<400x1xf32, #tpu.memory_space<vmem>>, %arg4: memref<1x400x128xf32, #tpu.memory_space<vmem>>) attributes {dimension_semantics = [#tpu.dimension_semantics<arbitrary>, #tpu.dimension_semantics<arbitrary>], iteration_bounds = array<i64: 25, 2>, scalar_prefetch = 0 : i64, scratch_operands = 0 : i64, tpu.core_type = #tpu.core_type<tc>, window_params = [{transform_indices = @transform_0, window_bounds = array<i64: 1, 400, 128>}, {transform_indices = @transform_1, window_bounds = array<i64: 400, 1>}, {transform_indices = @transform_2, window_bounds = array<i64: 1, 400, 128>}]} {
    %get3A = arith.constant 0 : index
    %get3A_0 = arith.constant 0 : index
    %get3A_1 = arith.constant 0 : index
    %get3A_2 = vector.load %arg2[%get3A, %get3A_0, %get3A_1] : memref<1x400x128xf32, #tpu.memory_space<vmem>>, vector<1x400x128xf32>
    %get3A_3 = arith.constant 0 : index
    %get3A_4 = arith.constant 0 : index
    %get3A_5 = vector.load %arg3[%get3A_3, %get3A_4] : memref<400x1xf32, #tpu.memory_space<vmem>>, vector<400x1xf32>
    %broadcast_in_dim3A = vector.shape_cast %get3A_5 : vector<400x1xf32> to vector<1x400x1xf32>
    %mul3A = vector.broadcast %broadcast_in_dim3A : vector<1x400x1xf32> to vector<1x400x128xf32>
    %mul3A_6 = arith.mulf %get3A_2, %mul3A : vector<1x400x128xf32>
    %swap3A = arith.constant 0 : index
    %swap3A_7 = arith.constant 0 : index
    %swap3A_8 = arith.constant 0 : index
    %swap3A_9 = vector.load %arg4[%swap3A, %swap3A_7, %swap3A_8] : memref<1x400x128xf32, #tpu.memory_space<vmem>>, vector<1x400x128xf32>
    tpu.vector_store %arg4[%swap3A, %swap3A_7, %swap3A_8], %mul3A_6 {strides = array<i32>} : memref<1x400x128xf32, #tpu.memory_space<vmem>>, vector<1x400x128xf32>,
    return
  }
  func.func @transform_0(%arg0: i32, %arg1: i32) -> (i32, i32, i32) {
    %c0_i32 = arith.constant 0 : i32
    %c0_i32_0 = arith.constant 0 : i32
    return %arg1, %arg0, %c0_i32 : i32, i32, i32
  }
  func.func @transform_1(%arg0: i32, %arg1: i32) -> (i32, i32) {
    %c0_i32 = arith.constant 0 : i32
    %c0_i32_0 = arith.constant 0 : i32
    return %arg0, %c0_i32 : i32, i32
  }
  func.func @transform_2(%arg0: i32, %arg1: i32) -> (i32, i32, i32) {
    %c0_i32 = arith.constant 0 : i32
    %c0_i32_0 = arith.constant 0 : i32
    return %arg1, %arg0, %c0_i32 : i32, i32, i32
  }
}

module attributes {stable_mosaic.version = 14 : i64} {
  func.func @_ep1_body(%arg0: i32, %arg1: memref<2x400x128xf32, #tpu.memory_space<vmem>>, %arg2: memref<2x400x128xf32, #tpu.memory_space<vmem>>, %arg3: memref<400x1xf32, #tpu.memory_space<vmem>>, %arg4: memref<1x256xf32, #tpu.memory_space<vmem>>, %arg5: memref<256x128xf32, #tpu.memory_space<vmem>>, %arg6: memref<400x256xf32, #tpu.memory_space<vmem>>, %arg7: memref<400x128xf32, #tpu.memory_space<vmem>>) attributes {dimension_semantics = [#tpu.dimension_semantics<arbitrary>], iteration_bounds = array<i64: 25>, scalar_prefetch = 0 : i64, scratch_operands = 0 : i64, tpu.core_type = #tpu.core_type<tc>, window_params = [{transform_indices = @transform_0, window_bounds = array<i64: 2, 400, 128>}, {transform_indices = @transform_1, window_bounds = array<i64: 2, 400, 128>}, {transform_indices = @transform_2, window_bounds = array<i64: 400, 1>}, {pipeline_mode = #tpu.pipeline_mode<synchronous>, transform_indices = @transform_3, window_bounds = array<i64: 1, 256>}, {pipeline_mode = #tpu.pipeline_mode<synchronous>, transform_indices = @transform_4, window_bounds = array<i64: 256, 128>}, {transform_indices = @transform_5, window_bounds = array<i64: 400, 256>}, {transform_indices = @transform_6, window_bounds = array<i64: 400, 128>}]} {
    %get3A = arith.constant 0 : index
    %get3A_0 = arith.constant 0 : index
    %get3A_1 = vector.load %arg3[%get3A, %get3A_0] : memref<400x1xf32, #tpu.memory_space<vmem>>, vector<400x1xf32>
    %get3A_2 = arith.constant 0 : index
    %get3A_3 = arith.constant 0 : index
    %get3A_4 = arith.constant 0 : index
    %get3A_5 = vector.load %arg1[%get3A_2, %get3A_3, %get3A_4] : memref<2x400x128xf32, #tpu.memory_space<vmem>>, vector<1x400x128xf32>
    %get3A_6 = vector.shape_cast %get3A_5 : vector<1x400x128xf32> to vector<400x128xf32>
    %get3A_7 = arith.constant 0 : index
    %get3A_8 = arith.constant 0 : index
    %get3A_9 = arith.constant 0 : index
    %get3A_10 = vector.load %arg2[%get3A_7, %get3A_8, %get3A_9] : memref<2x400x128xf32, #tpu.memory_space<vmem>>, vector<1x400x128xf32>
    %get3A_11 = vector.shape_cast %get3A_10 : vector<1x400x128xf32> to vector<400x128xf32>
    %add3A = arith.addf %get3A_6, %get3A_11 : vector<400x128xf32>
    %get3A_12 = arith.constant 1 : index
    %get3A_13 = arith.constant 0 : index
    %get3A_14 = arith.constant 0 : index
    %get3A_15 = vector.load %arg1[%get3A_12, %get3A_13, %get3A_14] : memref<2x400x128xf32, #tpu.memory_space<vmem>>, vector<1x400x128xf32>
    %get3A_16 = vector.shape_cast %get3A_15 : vector<1x400x128xf32> to vector<400x128xf32>
    %get3A_17 = arith.constant 1 : index
    %get3A_18 = arith.constant 0 : index
    %get3A_19 = arith.constant 0 : index
    %get3A_20 = vector.load %arg2[%get3A_17, %get3A_18, %get3A_19] : memref<2x400x128xf32, #tpu.memory_space<vmem>>, vector<1x400x128xf32>
    %get3A_21 = vector.shape_cast %get3A_20 : vector<1x400x128xf32> to vector<400x128xf32>
    %add3A_22 = arith.addf %get3A_16, %get3A_21 : vector<400x128xf32>
    %concatenate3A = tpu.concatenate %add3A, %add3A_22 in 1 : vector<400x128xf32>, vector<400x128xf32> -> vector<400x256xf32>
    %mul3A = vector.broadcast %get3A_1 : vector<400x1xf32> to vector<400x256xf32>
    %mul3A_23 = arith.mulf %concatenate3A, %mul3A : vector<400x256xf32>
    %get3A_24 = arith.constant 0 : index
    %get3A_25 = arith.constant 0 : index
    %get3A_26 = vector.load %arg4[%get3A_24, %get3A_25] : memref<1x256xf32, #tpu.memory_space<vmem>>, vector<1x256xf32>
    %add3A_27 = vector.broadcast %get3A_26 : vector<1x256xf32> to vector<400x256xf32>
    %add3A_28 = arith.addf %mul3A_23, %add3A_27 : vector<400x256xf32>
    %max3A = arith.constant 0.000000e+00 : f32
    %max3A_29 = vector.broadcast %max3A : f32 to vector<400x256xf32>
    %max3A_30 = arith.maximumf %add3A_28, %max3A_29 : vector<400x256xf32>
    %swap3A = arith.constant 0 : index
    %swap3A_31 = arith.constant 0 : index
    %swap3A_32 = vector.load %arg6[%swap3A, %swap3A_31] : memref<400x256xf32, #tpu.memory_space<vmem>>, vector<400x256xf32>
    tpu.vector_store %arg6[%swap3A, %swap3A_31], %max3A_30 {strides = array<i32>} : memref<400x256xf32, #tpu.memory_space<vmem>>, vector<400x256xf32>,
    %get3A_33 = arith.constant 0 : index
    %get3A_34 = arith.constant 0 : index
    %get3A_35 = vector.load %arg5[%get3A_33, %get3A_34] : memref<256x128xf32, #tpu.memory_space<vmem>>, vector<256x128xf32>
    %dot_general3A = arith.constant dense<0.000000e+00> : vector<400x128xf32>
    %dot_general3A_36 = tpu.matmul %max3A_30, %get3A_35, %dot_general3A {dimension_numbers = #tpu.dot_dimension_numbers<[1], [0], [0], [1], [0, 0, 1, 1], [], []>, transpose_lhs_hint = false} : vector<400x256xf32>, vector<256x128xf32>, vector<400x128xf32> -> vector<400x128xf32>
    %mul3A_37 = vector.broadcast %get3A_1 : vector<400x1xf32> to vector<400x128xf32>
    %mul3A_38 = arith.mulf %dot_general3A_36, %mul3A_37 : vector<400x128xf32>
    %swap3A_39 = arith.constant 0 : index
    %swap3A_40 = arith.constant 0 : index
    %swap3A_41 = vector.load %arg7[%swap3A_39, %swap3A_40] : memref<400x128xf32, #tpu.memory_space<vmem>>, vector<400x128xf32>
    tpu.vector_store %arg7[%swap3A_39, %swap3A_40], %mul3A_38 {strides = array<i32>} : memref<400x128xf32, #tpu.memory_space<vmem>>, vector<400x128xf32>,
    return
  }
  func.func @transform_0(%arg0: i32) -> (i32, i32, i32) {
    %c0_i32 = arith.constant 0 : i32
    %c0_i32_0 = arith.constant 0 : i32
    %c0_i32_1 = arith.constant 0 : i32
    return %c0_i32, %arg0, %c0_i32_0 : i32, i32, i32
  }
  func.func @transform_1(%arg0: i32) -> (i32, i32, i32) {
    %c0_i32 = arith.constant 0 : i32
    %c0_i32_0 = arith.constant 0 : i32
    %c0_i32_1 = arith.constant 0 : i32
    return %c0_i32, %arg0, %c0_i32_0 : i32, i32, i32
  }
  func.func @transform_2(%arg0: i32) -> (i32, i32) {
    %c0_i32 = arith.constant 0 : i32
    %c0_i32_0 = arith.constant 0 : i32
    return %arg0, %c0_i32 : i32, i32
  }
  func.func @transform_3(%arg0: i32) -> (i32, i32) {
    %c0_i32 = arith.constant 0 : i32
    %c0_i32_0 = arith.constant 0 : i32
    %c0_i32_1 = arith.constant 0 : i32
    return %c0_i32, %c0_i32_0 : i32, i32
  }
  func.func @transform_4(%arg0: i32) -> (i32, i32) {
    %c0_i32 = arith.constant 0 : i32
    %c0_i32_0 = arith.constant 0 : i32
    %c0_i32_1 = arith.constant 0 : i32
    return %c0_i32, %c0_i32_0 : i32, i32
  }
  func.func @transform_5(%arg0: i32) -> (i32, i32) {
    %c0_i32 = arith.constant 0 : i32
    %c0_i32_0 = arith.constant 0 : i32
    return %arg0, %c0_i32 : i32, i32
  }
  func.func @transform_6(%arg0: i32) -> (i32, i32) {
    %c0_i32 = arith.constant 0 : i32
    %c0_i32_0 = arith.constant 0 : i32
    return %arg0, %c0_i32 : i32, i32
  }
}

module attributes {stable_mosaic.version = 14 : i64} {
  func.func @_ep2_body(%arg0: i32, %arg1: memref<2x400x128xf32, #tpu.memory_space<vmem>>, %arg2: memref<400x128xf32, #tpu.memory_space<vmem>>, %arg3: memref<400x1xf32, #tpu.memory_space<vmem>>, %arg4: memref<1x128xf32, #tpu.memory_space<vmem>>, %arg5: memref<400x128xf32, #tpu.memory_space<vmem>>) attributes {dimension_semantics = [#tpu.dimension_semantics<arbitrary>], iteration_bounds = array<i64: 25>, scalar_prefetch = 0 : i64, scratch_operands = 0 : i64, tpu.core_type = #tpu.core_type<tc>, window_params = [{transform_indices = @transform_0, window_bounds = array<i64: 2, 400, 128>}, {transform_indices = @transform_1, window_bounds = array<i64: 400, 128>}, {transform_indices = @transform_2, window_bounds = array<i64: 400, 1>}, {pipeline_mode = #tpu.pipeline_mode<synchronous>, transform_indices = @transform_3, window_bounds = array<i64: 1, 128>}, {transform_indices = @transform_4, window_bounds = array<i64: 400, 128>}]} {
    %get3A = arith.constant 0 : index
    %get3A_0 = arith.constant 0 : index
    %get3A_1 = arith.constant 0 : index
    %get3A_2 = vector.load %arg1[%get3A, %get3A_0, %get3A_1] : memref<2x400x128xf32, #tpu.memory_space<vmem>>, vector<1x400x128xf32>
    %get3A_3 = vector.shape_cast %get3A_2 : vector<1x400x128xf32> to vector<400x128xf32>
    %get3A_4 = arith.constant 1 : index
    %get3A_5 = arith.constant 0 : index
    %get3A_6 = arith.constant 0 : index
    %get3A_7 = vector.load %arg1[%get3A_4, %get3A_5, %get3A_6] : memref<2x400x128xf32, #tpu.memory_space<vmem>>, vector<1x400x128xf32>
    %get3A_8 = vector.shape_cast %get3A_7 : vector<1x400x128xf32> to vector<400x128xf32>
    %add3A = arith.addf %get3A_3, %get3A_8 : vector<400x128xf32>
    %get3A_9 = arith.constant 0 : index
    %get3A_10 = arith.constant 0 : index
    %get3A_11 = vector.load %arg2[%get3A_9, %get3A_10] : memref<400x128xf32, #tpu.memory_space<vmem>>, vector<400x128xf32>
    %add3A_12 = arith.addf %add3A, %get3A_11 : vector<400x128xf32>
    %get3A_13 = arith.constant 0 : index
    %get3A_14 = arith.constant 0 : index
    %get3A_15 = vector.load %arg3[%get3A_13, %get3A_14] : memref<400x1xf32, #tpu.memory_space<vmem>>, vector<400x1xf32>
    %mul3A = vector.broadcast %get3A_15 : vector<400x1xf32> to vector<400x128xf32>
    %mul3A_16 = arith.mulf %add3A_12, %mul3A : vector<400x128xf32>
    %get3A_17 = arith.constant 0 : index
    %get3A_18 = arith.constant 0 : index
    %get3A_19 = vector.load %arg4[%get3A_17, %get3A_18] : memref<1x128xf32, #tpu.memory_space<vmem>>, vector<1x128xf32>
    %add3A_20 = vector.broadcast %get3A_19 : vector<1x128xf32> to vector<400x128xf32>
    %add3A_21 = arith.addf %mul3A_16, %add3A_20 : vector<400x128xf32>
    %max3A = arith.constant 0.000000e+00 : f32
    %max3A_22 = vector.broadcast %max3A : f32 to vector<400x128xf32>
    %max3A_23 = arith.maximumf %add3A_21, %max3A_22 : vector<400x128xf32>
    %swap3A = arith.constant 0 : index
    %swap3A_24 = arith.constant 0 : index
    %swap3A_25 = vector.load %arg5[%swap3A, %swap3A_24] : memref<400x128xf32, #tpu.memory_space<vmem>>, vector<400x128xf32>
    tpu.vector_store %arg5[%swap3A, %swap3A_24], %max3A_23 {strides = array<i32>} : memref<400x128xf32, #tpu.memory_space<vmem>>, vector<400x128xf32>,
    return
  }
  func.func @transform_0(%arg0: i32) -> (i32, i32, i32) {
    %c0_i32 = arith.constant 0 : i32
    %c0_i32_0 = arith.constant 0 : i32
    %c0_i32_1 = arith.constant 0 : i32
    return %c0_i32, %arg0, %c0_i32_0 : i32, i32, i32
  }
  func.func @transform_1(%arg0: i32) -> (i32, i32) {
    %c0_i32 = arith.constant 0 : i32
    %c0_i32_0 = arith.constant 0 : i32
    return %arg0, %c0_i32 : i32, i32
  }
  func.func @transform_2(%arg0: i32) -> (i32, i32) {
    %c0_i32 = arith.constant 0 : i32
    %c0_i32_0 = arith.constant 0 : i32
    return %arg0, %c0_i32 : i32, i32
  }
  func.func @transform_3(%arg0: i32) -> (i32, i32) {
    %c0_i32 = arith.constant 0 : i32
    %c0_i32_0 = arith.constant 0 : i32
    %c0_i32_1 = arith.constant 0 : i32
    return %c0_i32, %c0_i32_0 : i32, i32
  }
  func.func @transform_4(%arg0: i32) -> (i32, i32) {
    %c0_i32 = arith.constant 0 : i32
    %c0_i32_0 = arith.constant 0 : i32
    return %arg0, %c0_i32 : i32, i32
  }
}

</mosaic_0001>

<sc_bundles>
// kernel: kernel.10.cloned.1.call-start
scs
__scs_entry_jumppad:
0x0: {  	(pc) =	sbr.rel $0x88, $3  }
0x1: {  	(tag) =	ssettag $0x0;
	lr =	simm.s32 $0x1  }
0x2: {  	[smem:$0x3F9B] =	sst lr;
	_ =	strace $0xD0000000  }
0x3: {  	_ = 	snop  }
0x4: {  	_ = 	snop  }
0x5: {  	_ = 	snop  }
0x6: {  	_ = 	snop  }
0x7: {  	_ = 	snop  }
__scs_overlays_trampoline_lowered:
0x8: {  	[smem:$0x3FAA] =	sst s0  }
0x9: {  	[smem:$0x3FAB] =	sst s1  }
0xa: {  	[smem:$0x3FAC] =	sst s2  }
0xb: {  	[smem:$0x3FAD] =	sst s3  }
0xc: {  	[smem:$0x3FAE] =	sst s4  }
0xd: {  	[smem:$0x3FAF] =	sst s5  }
0xe: {  	[smem:$0x3FB0] =	sst s6  }
0xf: {  	[smem:$0x3FB1] =	sst s7  }
0x10: {  	[smem:$0x3FB2] =	sst s8  }
0x11: {  	[smem:$0x3FB3] =	sst s9;
	s0 =	simm.s32 @!p0 $0x0  }
0x12: {  	s1 =	sld [smem:$0x3F99];
	s0 =	simm.s32 @p0 $0x1  }
0x13: {  	[smem:$0x3FB4] =	sst s0;
	s0 =	simm.s32 @!p1 $0x0  }
0x14: {  	s2 =	sld [smem:$0x3F98];
	s0 =	simm.s32 @p1 $0x1  }
0x15: {  	[smem:$0x3FB5] =	sst s0;
	s0 =	simm.s32 @!p2 $0x0  }
0x16: {  	s3 =	sld [smem:$0x3FDB];
	s0 =	simm.s32 @p2 $0x1  }
0x17: {  	s4 =	simm.s32 $0x1BF5;
	[smem:$0x3FB7] =	sst s0  }
0x18: {  	s0 =	sld [smem:$0x3F9A];
	_ =	swait.ge [sflag:s4], $0x0  }
0x19: {  	s7 =	sld [smem:$0x3F9B]  }
0x1a: {  	s8 =	sadd.s32 $0xFFFFE003, lr  }
0x1b: {  	s9 =	sadd.s32 $0xFFFFFEF7, lr;
	s5 =	simm.s32 $0xFFFFFFFF;
	p2 =	slt.u32 s8, $0xFFFFF086  }
0x1c: {  	p1 =	slt.u32 s9, $0xF7A;
	s5 =	simm.s32 @!p2 $0x0  }
0x1d: {  	s5 =	simm.s32 @p1 $0x1;
	p0 =	seq.s32 s7, s2  }
0x1e: {  	s7 =	smul.u32 @!p0 $0xF7A, s2;
	p2 =	seq.s32 @!p0 s5, $0x0  }
0x1f: {  	s9 =	smul.u32 $0xF7A, s1;
	s8 =	simm.s32 @!p0 $0x1BF5;
	p2 =	por !p2, p0  }
0x20: {  	[sflag:s8] =	ssyncset.s32 @!p0 $0xFFFFF086;
	s6 =	sadd.s32 @!p0 s3, s7;
	s7 =	simm.s32 @!p0 $0x108  }
0x21: {  	s3 =	sadd.s32 s3, s9;
	s6 =	sadd.s32 @!p0 $0x88, s6;
	s7 =	simm.s32 @p2 $0x1082  }
0x22: {  	[simem:s7], [sflag:s8] =	dma.local @!p0 [hbm:s6], $0xF7A  }
0x23: {  	s9 =	sor.u32 $0xD0000000, s2;
	s6 =	simm.s32 $0x108;
	_ =	swait.ge @!p0 [sflag:s8], $0x0  }
0x24: {  	s3 =	sadd.s32 $0x88, s3;
	s6 =	simm.s32 @!p1 $0x1082;
	[sflag:s4] =	ssyncset.s32 $0xFFFFF086  }
0x25: {  	[simem:s6], [sflag:s4] =	dma.local [hbm:s3], $0xF7A  }
0x26: {  	[smem:$0x3F9B] =	sst s1;
	(tag) =	ssettag s2;
	_ =	strace s9  }
0x27: {  	s1 =	sld [smem:$0x3FAB]  }
0x28: {  	s2 =	sld [smem:$0x3FAC]  }
0x29: {  	s4 =	sld [smem:$0x3FAE]  }
0x2a: {  	p0 =	seq.s32 s5, $0x0;
	s5 =	sld [smem:$0x3FAF]  }
0x2b: {  	s6 =	sld [smem:$0x3FB0]  }
0x2c: {  	s7 =	sld [smem:$0x3FB1]  }
0x2d: {  	s3 =	simm.s32 $0x108;
	s8 =	sld [smem:$0x3FB2]  }
0x2e: {  	s3 =	simm.s32 @!p0 $0x1082;
	s9 =	sld [smem:$0x3FB3]  }
0x2f: {  	lr =	sadd.s32 s0, s3;
	s0 =	sld [smem:$0x3FAA]  }
0x30: {  	s3 =	sld [smem:$0x3FAD]  }
0x31: {  	[smem:$0x3FB6] =	sst s10  }
0x32: {  	s10 =	sld [smem:$0x3FB4];
	_ =	sdelay $0x3  }
0x33: {  	p0 =	seq.s32 s10, $0x1;
	s10 =	sld [smem:$0x3FB6];
	_ =	sdelay $0x3  }
0x34: {  	[smem:$0x3FB6] =	sst s10  }
0x35: {  	s10 =	sld [smem:$0x3FB5];
	_ =	sdelay $0x3  }
0x36: {  	p1 =	seq.s32 s10, $0x1;
	s10 =	sld [smem:$0x3FB6];
	_ =	sdelay $0x3  }
0x37: {  	[smem:$0x3FB6] =	sst s10  }
0x38: {  	s10 =	sld [smem:$0x3FB7]  }
0x39: {  	_ = 	snop;
	(pc) =	sbr.ind lr, $3  }
0x3a: {  	_ = 	snop  }
0x3b: {  	_ = 	snop  }
0x3c: {  	p2 =	seq.s32 s10, $0x1;
	s10 =	sld [smem:$0x3FB6]  }
0x3d: {  	_ =	shalt  }
0x3e: {  	_ =	shalt  }
0x3f: {  	_ =	shalt  }
0x40: {  	_ =	shalt  }
0x41: {  	_ =	shalt  }
0x42: {  	_ =	shalt  }
0x43: {  	_ =	shalt  }
0x44: {  	_ =	shalt  }
0x45: {  	_ =	shalt  }
0x46: {  	_ =	shalt  }
0x47: {  	_ =	shalt  }
0x48: {  	_ =	shalt  }
0x49: {  	_ =	shalt  }
0x4a: {  	_ =	shalt  }
0x4b: {  	_ =	shalt  }
0x4c: {  	_ =	shalt  }
0x4d: {  	_ =	shalt  }
0x4e: {  	_ =	shalt  }
0x4f: {  	_ =	shalt  }
0x50: {  	_ =	shalt  }
0x51: {  	_ =	shalt  }
0x52: {  	_ =	shalt  }
0x53: {  	_ =	shalt  }
0x54: {  	_ =	shalt  }
0x55: {  	_ =	shalt  }
0x56: {  	_ =	shalt  }
0x57: {  	_ =	shalt  }
0x58: {  	_ =	shalt  }
0x59: {  	_ =	shalt  }
0x5a: {  	_ =	shalt  }
0x5b: {  	_ =	shalt  }
0x5c: {  	_ =	shalt  }
0x5d: {  	_ =	shalt  }
0x5e: {  	_ =	shalt  }
0x5f: {  	_ =	shalt  }
0x60: {  	_ =	shalt  }
0x61: {  	_ =	shalt  }
0x62: {  	_ =	shalt  }
0x63: {  	_ =	shalt  }
0x64: {  	_ =	shalt  }
0x65: {  	_ =	shalt  }
0x66: {  	_ =	shalt  }
0x67: {  	_ =	shalt  }
0x68: {  	_ =	shalt  }
0x69: {  	_ =	shalt  }
0x6a: {  	_ =	shalt  }
0x6b: {  	_ =	shalt  }
0x6c: {  	_ =	shalt  }
0x6d: {  	_ =	shalt  }
0x6e: {  	_ =	shalt  }
0x6f: {  	_ =	shalt  }
0x70: {  	_ =	shalt  }
0x71: {  	_ =	shalt  }
0x72: {  	_ =	shalt  }
0x73: {  	_ =	shalt  }
0x74: {  	_ =	shalt  }
0x75: {  	_ =	shalt  }
0x76: {  	_ =	shalt  }
0x77: {  	_ =	shalt  }
0x78: {  	_ =	shalt  }
0x79: {  	_ =	shalt  }
0x7a: {  	_ =	shalt  }
0x7b: {  	_ =	shalt  }
0x7c: {  	_ =	shalt  }
0x7d: {  	_ =	shalt  }
0x7e: {  	_ =	shalt  }
0x7f: {  	_ =	shalt  }
0x80: {  	_ =	shalt  }
0x81: {  	_ =	shalt  }
0x82: {  	_ =	shalt  }
0x83: {  	_ =	shalt  }
0x84: {  	_ =	shalt  }
0x85: {  	_ =	shalt  }
0x86: {  	_ =	shalt  }
0x87: {  	_ =	shalt  }
.Lfunc_end0:
.L_simem_size_0:
called_computation_lowered:
.L_overlay_start_0:
0x88: {  	s2 =	sld [smem:$0x3FD9]  }
0x89: {  	s3 =	sld [smem:$0x3FFE];
	_ =	sdelay $0x1  }
0x8a: {  	s1 =	srdreg.scid  }
0x8b: {  	s0 =	sand.u32 $0x1, s1  }
0x8c: {  	s16 =	sshll.u32 s0, $0xA;
	s2 =	sadd.s32 s3, s2  }
0x8d: {  	s2 =	sadd.s32 s2, s16  }
0x8e: {  	[smem:$0x3FC2] =	sst s2  }
0x8f: {  	_ = 	snop  }
0x90: {  	(tm) =	ssettm $0x1  }
0x91: {  	s17 =	sld [smem:$0x3FFB];
	_ =	sdelay $0x3  }
0x92: {  	_ =	strace s17  }
0x93: {  	s2 =	sld [smem:$0x3FFC];
	_ =	sdelay $0x3  }
0x94: {  	_ =	strace s2  }
0x95: {  	s2 =	sld [smem:$0x3FFD];
	_ =	sdelay $0x3  }
0x96: {  	_ =	strace s2  }
0x97: {  	_ =	strace $0x8FFFFFFF  }
0x98: {  	s18 =	sld [smem:$0x3FDB];
	_ =	sdelay $0x1  }
0x99: {  	s19 =	simm.s32 $_scs_section_size  }
0x9a: {  	s4 =	simm.s32 $_size__tile_overlayer_lowered;
	s5 =	simm.s32 $_tile_overlayer_lowered  }
0x9b: {  	s22 =	simm.s32 $0x1BFF;
	s21 =	sshll.u32 s5, $0x1;
	s2 =	sadd.s32 s19, s18  }
0x9c: {  	s6 =	simm.s32 $0x0;
	s20 =	sshll.u32 s4, $0x1;
	s4 =	sadd.s32 s21, s2  }
0x9d: {  	[timem:s6], [sflag:s22] =	dma.local [hbm:s4], s20  }
0x9e: {  	_ =	swait.ge [sflag:s22], s20  }
0x9f: {  	s3 =	ssub.s32 $0x0, s20;
	[sflag:s22] =	ssyncset.done $0x0  }
0xa0: {  	[sflag:s22] =	ssyncadd.s32 s3;
	_ =	sdelay $0x1  }
0xa1: {  	s23 =	simm.s32 $0x1B8B  }
0xa2: {  	_ =	swait.ge [sflag:s23], $0x1  }
0xa3: {  	[sflag:s23] =	ssyncset.done $0x0  }
0xa4: {  	s25 =	simm.s32 $0x1B8E;
	s24 =	sld [smem:$0x3FFE];
	[sflag:s23] =	ssyncadd.s32 $0xFFFFFFFF  }
0xa5: {  	s26 =	simm.s32 $execute0_lowered;
	[smem:$0x3FD2] =	sst s25  }
0xa6: {  	s4 =	sshll.u32 s26, $0x1;
	_ =	strace $0x80000046;
	[dreg:$0x1] =	wrdreg $0xFFFFFFFF  }
0xa7: {  	s28 =	simm.s32 $_size_execute0_lowered;
	s2 =	sadd.s32 s2, s4;
	[dreg:$0x0] =	wrdreg $0x0  }
0xa8: {  	s4 =	sshll.u32 s28, $0x1;
	[dreg:$0x2] =	wrdreg s2  }
0xa9: {  	[dreg:$0x3] =	wrdreg s4  }
0xaa: {  	[dreg:$0x4] =	wrdreg $0xC0  }
0xab: {  	_ =	task [dreg:s6], $0x5FFFF  }
0xac: {  	[dreg:$0x1] =	wrdreg $0xFFFFFFFF  }
0xad: {  	[dreg:$0x0] =	wrdreg $0x60  }
0xae: {  	[dreg:$0x2] =	wrdreg s24  }
0xaf: {  	[dreg:$0x3] =	wrdreg $0x9  }
0xb0: {  	_ =	task.clear_ibuf [dreg:s6], $0x4FFFF;
	_ =	strace $0x90000046  }
0xb1: {  	s29 =	simm.s32 $0x9;
	_ =	strace $0x80000048  }
0xb2: {  	_ =	swait.ge [sflag:s29], $0x1  }
0xb3: {  	[sflag:s29] =	ssyncadd.s32 $0xFFFFFFFF  }
0xb4: {  	_ =	strace $0x90000048  }
0xb5: {  	_ =	sfence  }
0xb6: {  	s30 =	sld [smem:$0x0];
	_ =	sdelay $0x2  }
0xb7: {  	s31 =	sshll.u32 s1, $0xD;
	s1 =	sshrl.u32 s1, $0x2  }
0xb8: {  	s3 =	sand.u32 $0x4000, s31;
	s1 =	sadd.s32 s1, s30  }
0xb9: {  	s0 =	sor.u32 s3, s0;
	s1 =	sshll.u32 s1, $0x11  }
0xba: {  	s0 =	sor.u32 s1, s0  }
0xbb: {  	s0 =	sadd.s32 $0x8F2B, s0  }
0xbc: {  	[sflag:s0] =	ssyncadd.remote.s32 $0x1  }
0xbd: {  	_ =	sfence.sel $0xFFFF  }
0xbe: {  	[dreg:$0x0] =	wrdreg $0xFFFFFFFF;
	(pc) =	sbr.abs _section_cstart, $3  }
0xbf: {  	[dreg:$0x1] =	wrdreg $0xFFFFFFFF  }
0xc0: {  	_ =	task.clear_ibuf [dreg:s6], $0x2FFFF;
	_ =	strace $0x9FFFFFFF  }
0xc1: {  	(tm) =	ssettm $0x7FFFFFFF  }
tec
execute0_lowered:
.L_overlay_start_1:
0x0: {  	(tag) =	ssettag $0x1  }
0x1: {  	s0 =	srdreg.scid  }
0x2: {  	s4 =	rddreg [dreg:$0x0];
	s2 =	simm.s32 $0x0;
	s3 =	sand.u32 $0x1, s0  }
0x3: {  	s8 =	simm.s32 $0x5000;
	s0 =	stileid.u32;
	s1 =	sshll.u32 s3, $0x4  }
0x4: {  	s9 =	simm.s32 $0x80;
	s10 =	simm.s32 $0x400;
	s5 =	sor.u32 s0, s1  }
0x5: {  	s11 =	simm.s32 $0x0;
	[smem:$0x7FF] =	sst s2;
	s6 =	sshrl.u32 s5, $0x3  }
0x6: {  	s7 =	sshll.u32 s0, $0x7;
	s30 =	ssub.s32 $0x2, s3;
	s6 =	smul.u32 $0x14000, s6  }
0x7: {  	s3 =	sadd.s32 $0x17400, s4;
	s7 =	sand.u32 $0x380, s7;
	s5 =	smul.u32 $0xA00, s5  }
0x8: {  	s1 =	rddreg [dreg:$0x1];
	_ =	strace $0x80000047;
	s6 =	sor.u32 s7, s6  }
0x9: {  	s31 =	sshrl.u32 s30, $0x1;
	s5 =	sadd.s32 s5, s4;
	s6 =	sshrl.u32 s6, $0x3  }
0xa: {  	s7 =	ssub.s32 s30, s31;
	s6 =	sadd.s32 s6, s4;
	s4 =	sadd.s32 $0x3400, s5  }
0xb: {  	v0 =	vimm.f32 $1.000000000e+00;
	s5 =	sadd.s32 $0x17A00, s6;
	s6 =	smax.u32 s7, $0x1;
	s7 =	simm.s32 $0x1  }
.LBB2_1:
0xc: {  	[tilespmem:s2], [sflag:$0x1] =	stream.linear.gather [hbm4b:s4+s2], $0x5000, $0x38;
	[tilespmem:$0x7800] =	vst v63  }
0xd: {  	_ =	swait.ge [sflag:s7], $0x5000  }
0xe: {  	[sflag:s7] =	ssyncset.done $0x0  }
0xf: {  	[sflag:s7] =	ssyncadd.s32 $0xFFFFB000  }
0x10: {  	[tilespmem:s8], [sflag:$0x1] =	stream.linear.gather [hbm4b:s3+s2], $0x2800, $0x38;
	[tilespmem:$0x7800] =	vst v63  }
0x11: {  	_ =	swait.ge [sflag:s7], $0x2800  }
0x12: {  	[sflag:s7] =	ssyncset.done $0x0  }
0x13: {  	s12 =	simm.s32 $0x0;
	[sflag:s7] =	ssyncadd.s32 $0xFFFFD800  }
.LBB2_2:
0x14: {  	s13 =	sshra.s32 s12, $0x2  }
0x15: {  	v1 =	vld [tilespmem:s13+$0x0];
	_ =	sdelay $0x7  }
0x16: {  	[tilespmem:v1+s8+$0x0] =	vst.idx.add.f32.msk $0xffff, v0  }
0x17: {  	v1 =	vld [tilespmem:s13+$0x10];
	_ =	sdelay $0x7  }
0x18: {  	[tilespmem:v1+s8+$0x0] =	vst.idx.add.f32.msk $0xffff, v0  }
0x19: {  	v1 =	vld [tilespmem:s13+$0x20];
	_ =	sdelay $0x7  }
0x1a: {  	[tilespmem:v1+s8+$0x0] =	vst.idx.add.f32.msk $0xffff, v0  }
0x1b: {  	v1 =	vld [tilespmem:s13+$0x30];
	_ =	sdelay $0x2  }
0x1c: {  	p0 =	sne.s32 s12, $0x13E00  }
.Ltmp0:
0x1d: {  	_ = 	snop;
	(pc) =	sbr.rel @p0 .LBB2_2-.Ltmp0, $2  }
0x1e: {  	_ =	sdelay $0x2  }
0x1f: {  	s12 =	sadd.s32 $0x200, s12;
	[tilespmem:v1+s8+$0x0] =	vst.idx.add.f32.msk $0xffff, v0  }
0x20: {  	s11 =	sadd.s32 $0x1, s11  }
0x21: {  	p0 =	sne.s32 s11, s6  }
.Ltmp1:
0x22: {  	_ = 	snop;
	(pc) =	sbr.rel @p0 .LBB2_1-.Ltmp1, $4  }
0x23: {  	[hbm4b:s5+s9] =	stream.strided.scatter [tilespmem:s8], [sflag:$0x1], $0x2800, s10, s9, $0x38;
	[tilespmem:$0x7800] =	vst v63  }
0x24: {  	_ =	swait.ge [sflag:s7], $0x2800  }
0x25: {  	[sflag:s7] =	ssyncset.done $0x0  }
0x26: {  	[sflag:s7] =	ssyncadd.s32 $0xFFFFD800  }
0x27: {  	_ =	sfence.sel $0x180000  }
0x28: {  	[bflag:$0x0] =	sbarrier.arrive $0xFFFF  }
0x29: {  	p0 =	sne.s32 s0, $0x0;
	_ =	strace $0x90000047  }
0x2a: {  	s0 =	sadd.s32 @!p0 $0x100000, s1;
	[bflag:$0x2] =	sbarrier.arrive $0xFFFF  }
0x2b: {  	[sflag:s0] =	ssyncadd.tile.s32 @!p0 $0x1;
	_ =	shalt  }
.Lfunc_end2:
_tile_overlayer_lowered:
.L_overlay_start_2:
0x2c: {  	(tag) =	ssettag $0x2  }
0x2d: {  	s0 =	rddreg [dreg:$0x0];
	s2 =	stileid.u32  }
0x2e: {  	s1 =	rddreg [dreg:$0x1];
	p0 =	sne.s32 s2, $0x0  }
0x2f: {  	s3 =	rddreg [dreg:$0x2];
	[bflag:$0x3] =	sbarrier.arrive $0xFFFF;
	s2 =	simm.s32 @!p0 $0x1C01  }
0x30: {  	[timem:s3], [sflag:s2] =	dma.local @!p0 [hbm:s0], s1  }
0x31: {  	s0 =	simm.s32 @!p0 $0x1  }
0x32: {  	_ =	swait.ge @!p0 [sflag:s0], s1  }
0x33: {  	s1 =	ssub.s32 @!p0 $0x0, s1;
	[sflag:s0] =	ssyncset.done @!p0 $0x0  }
0x34: {  	[sflag:s0] =	ssyncadd.s32 @!p0 s1  }
0x35: {  	[bflag:$0x3] =	sbarrier.arrive $0xFFFF  }
0x36: {  	_ =	shalt  }

// kernel: kernel.13.cloned.1.call-start
scs
__scs_entry_jumppad:
0x0: {  	(pc) =	sbr.rel $0x88, $3  }
0x1: {  	(tag) =	ssettag $0x0;
	lr =	simm.s32 $0x1  }
0x2: {  	[smem:$0x3F9B] =	sst lr;
	_ =	strace $0xD0000000  }
0x3: {  	_ = 	snop  }
0x4: {  	_ = 	snop  }
0x5: {  	_ = 	snop  }
0x6: {  	_ = 	snop  }
0x7: {  	_ = 	snop  }
__scs_overlays_trampoline_lowered:
0x8: {  	[smem:$0x3FAA] =	sst s0  }
0x9: {  	[smem:$0x3FAB] =	sst s1  }
0xa: {  	[smem:$0x3FAC] =	sst s2  }
0xb: {  	[smem:$0x3FAD] =	sst s3  }
0xc: {  	[smem:$0x3FAE] =	sst s4  }
0xd: {  	[smem:$0x3FAF] =	sst s5  }
0xe: {  	[smem:$0x3FB0] =	sst s6  }
0xf: {  	[smem:$0x3FB1] =	sst s7  }
0x10: {  	[smem:$0x3FB2] =	sst s8  }
0x11: {  	[smem:$0x3FB3] =	sst s9;
	s0 =	simm.s32 @!p0 $0x0  }
0x12: {  	s1 =	sld [smem:$0x3F99];
	s0 =	simm.s32 @p0 $0x1  }
0x13: {  	[smem:$0x3FB4] =	sst s0;
	s0 =	simm.s32 @!p1 $0x0  }
0x14: {  	s2 =	sld [smem:$0x3F98];
	s0 =	simm.s32 @p1 $0x1  }
0x15: {  	[smem:$0x3FB5] =	sst s0;
	s0 =	simm.s32 @!p2 $0x0  }
0x16: {  	s3 =	sld [smem:$0x3FDB];
	s0 =	simm.s32 @p2 $0x1  }
0x17: {  	s4 =	simm.s32 $0x1BF5;
	[smem:$0x3FB7] =	sst s0  }
0x18: {  	s0 =	sld [smem:$0x3F9A];
	_ =	swait.ge [sflag:s4], $0x0  }
0x19: {  	s7 =	sld [smem:$0x3F9B]  }
0x1a: {  	s8 =	sadd.s32 $0xFFFFE003, lr  }
0x1b: {  	s9 =	sadd.s32 $0xFFFFFEF7, lr;
	s5 =	simm.s32 $0xFFFFFFFF;
	p2 =	slt.u32 s8, $0xFFFFF086  }
0x1c: {  	p1 =	slt.u32 s9, $0xF7A;
	s5 =	simm.s32 @!p2 $0x0  }
0x1d: {  	s5 =	simm.s32 @p1 $0x1;
	p0 =	seq.s32 s7, s2  }
0x1e: {  	s7 =	smul.u32 @!p0 $0xF7A, s2;
	p2 =	seq.s32 @!p0 s5, $0x0  }
0x1f: {  	s9 =	smul.u32 $0xF7A, s1;
	s8 =	simm.s32 @!p0 $0x1BF5;
	p2 =	por !p2, p0  }
0x20: {  	[sflag:s8] =	ssyncset.s32 @!p0 $0xFFFFF086;
	s6 =	sadd.s32 @!p0 s3, s7;
	s7 =	simm.s32 @!p0 $0x108  }
0x21: {  	s3 =	sadd.s32 s3, s9;
	s6 =	sadd.s32 @!p0 $0x88, s6;
	s7 =	simm.s32 @p2 $0x1082  }
0x22: {  	[simem:s7], [sflag:s8] =	dma.local @!p0 [hbm:s6], $0xF7A  }
0x23: {  	s9 =	sor.u32 $0xD0000000, s2;
	s6 =	simm.s32 $0x108;
	_ =	swait.ge @!p0 [sflag:s8], $0x0  }
0x24: {  	s3 =	sadd.s32 $0x88, s3;
	s6 =	simm.s32 @!p1 $0x1082;
	[sflag:s4] =	ssyncset.s32 $0xFFFFF086  }
0x25: {  	[simem:s6], [sflag:s4] =	dma.local [hbm:s3], $0xF7A  }
0x26: {  	[smem:$0x3F9B] =	sst s1;
	(tag) =	ssettag s2;
	_ =	strace s9  }
0x27: {  	s1 =	sld [smem:$0x3FAB]  }
0x28: {  	s2 =	sld [smem:$0x3FAC]  }
0x29: {  	s4 =	sld [smem:$0x3FAE]  }
0x2a: {  	p0 =	seq.s32 s5, $0x0;
	s5 =	sld [smem:$0x3FAF]  }
0x2b: {  	s6 =	sld [smem:$0x3FB0]  }
0x2c: {  	s7 =	sld [smem:$0x3FB1]  }
0x2d: {  	s3 =	simm.s32 $0x108;
	s8 =	sld [smem:$0x3FB2]  }
0x2e: {  	s3 =	simm.s32 @!p0 $0x1082;
	s9 =	sld [smem:$0x3FB3]  }
0x2f: {  	lr =	sadd.s32 s0, s3;
	s0 =	sld [smem:$0x3FAA]  }
0x30: {  	s3 =	sld [smem:$0x3FAD]  }
0x31: {  	[smem:$0x3FB6] =	sst s10  }
0x32: {  	s10 =	sld [smem:$0x3FB4];
	_ =	sdelay $0x3  }
0x33: {  	p0 =	seq.s32 s10, $0x1;
	s10 =	sld [smem:$0x3FB6];
	_ =	sdelay $0x3  }
0x34: {  	[smem:$0x3FB6] =	sst s10  }
0x35: {  	s10 =	sld [smem:$0x3FB5];
	_ =	sdelay $0x3  }
0x36: {  	p1 =	seq.s32 s10, $0x1;
	s10 =	sld [smem:$0x3FB6];
	_ =	sdelay $0x3  }
0x37: {  	[smem:$0x3FB6] =	sst s10  }
0x38: {  	s10 =	sld [smem:$0x3FB7]  }
0x39: {  	_ = 	snop;
	(pc) =	sbr.ind lr, $3  }
0x3a: {  	_ = 	snop  }
0x3b: {  	_ = 	snop  }
0x3c: {  	p2 =	seq.s32 s10, $0x1;
	s10 =	sld [smem:$0x3FB6]  }
0x3d: {  	_ =	shalt  }
0x3e: {  	_ =	shalt  }
0x3f: {  	_ =	shalt  }
0x40: {  	_ =	shalt  }
0x41: {  	_ =	shalt  }
0x42: {  	_ =	shalt  }
0x43: {  	_ =	shalt  }
0x44: {  	_ =	shalt  }
0x45: {  	_ =	shalt  }
0x46: {  	_ =	shalt  }
0x47: {  	_ =	shalt  }
0x48: {  	_ =	shalt  }
0x49: {  	_ =	shalt  }
0x4a: {  	_ =	shalt  }
0x4b: {  	_ =	shalt  }
0x4c: {  	_ =	shalt  }
0x4d: {  	_ =	shalt  }
0x4e: {  	_ =	shalt  }
0x4f: {  	_ =	shalt  }
0x50: {  	_ =	shalt  }
0x51: {  	_ =	shalt  }
0x52: {  	_ =	shalt  }
0x53: {  	_ =	shalt  }
0x54: {  	_ =	shalt  }
0x55: {  	_ =	shalt  }
0x56: {  	_ =	shalt  }
0x57: {  	_ =	shalt  }
0x58: {  	_ =	shalt  }
0x59: {  	_ =	shalt  }
0x5a: {  	_ =	shalt  }
0x5b: {  	_ =	shalt  }
0x5c: {  	_ =	shalt  }
0x5d: {  	_ =	shalt  }
0x5e: {  	_ =	shalt  }
0x5f: {  	_ =	shalt  }
0x60: {  	_ =	shalt  }
0x61: {  	_ =	shalt  }
0x62: {  	_ =	shalt  }
0x63: {  	_ =	shalt  }
0x64: {  	_ =	shalt  }
0x65: {  	_ =	shalt  }
0x66: {  	_ =	shalt  }
0x67: {  	_ =	shalt  }
0x68: {  	_ =	shalt  }
0x69: {  	_ =	shalt  }
0x6a: {  	_ =	shalt  }
0x6b: {  	_ =	shalt  }
0x6c: {  	_ =	shalt  }
0x6d: {  	_ =	shalt  }
0x6e: {  	_ =	shalt  }
0x6f: {  	_ =	shalt  }
0x70: {  	_ =	shalt  }
0x71: {  	_ =	shalt  }
0x72: {  	_ =	shalt  }
0x73: {  	_ =	shalt  }
0x74: {  	_ =	shalt  }
0x75: {  	_ =	shalt  }
0x76: {  	_ =	shalt  }
0x77: {  	_ =	shalt  }
0x78: {  	_ =	shalt  }
0x79: {  	_ =	shalt  }
0x7a: {  	_ =	shalt  }
0x7b: {  	_ =	shalt  }
0x7c: {  	_ =	shalt  }
0x7d: {  	_ =	shalt  }
0x7e: {  	_ =	shalt  }
0x7f: {  	_ =	shalt  }
0x80: {  	_ =	shalt  }
0x81: {  	_ =	shalt  }
0x82: {  	_ =	shalt  }
0x83: {  	_ =	shalt  }
0x84: {  	_ =	shalt  }
0x85: {  	_ =	shalt  }
0x86: {  	_ =	shalt  }
0x87: {  	_ =	shalt  }
.Lfunc_end0:
.L_simem_size_0:
called_computation.1_lowered:
.L_overlay_start_0:
0x88: {  	s2 =	sld [smem:$0x3FD9]  }
0x89: {  	s3 =	sld [smem:$0x3FFE];
	_ =	sdelay $0x1  }
0x8a: {  	s1 =	srdreg.scid  }
0x8b: {  	s0 =	sand.u32 $0x1, s1  }
0x8c: {  	s14 =	sshll.u32 s0, $0xA;
	s2 =	sadd.s32 s3, s2  }
0x8d: {  	s2 =	sadd.s32 s2, s14  }
0x8e: {  	[smem:$0x3FC2] =	sst s2  }
0x8f: {  	_ = 	snop  }
0x90: {  	s2 =	sld [smem:$0x3FD0];
	_ =	sdelay $0x2  }
0x91: {  	s15 =	simm.s32 $0xA;
	s4 =	simm.s32 $0x10  }
0x92: {  	[smem:s4], [sflag:s15] =	dma.local [hbm:s2], $0x1  }
0x93: {  	_ =	swait.eq [sflag:s15], $0x1  }
0x94: {  	[sflag:s15] =	ssyncset.done $0x0  }
0x95: {  	s16 =	sld [smem:$0x10];
	[sflag:s15] =	ssyncadd.s32 $0xFFFFFFFF  }
0x96: {  	s17 =	sld [smem:$0x11];
	(tm) =	ssettm $0x1  }
0x97: {  	s18 =	sld [smem:$0x3FFB];
	_ =	sdelay $0x3  }
0x98: {  	_ =	strace s18  }
0x99: {  	s4 =	sld [smem:$0x3FFC];
	_ =	sdelay $0x3  }
0x9a: {  	_ =	strace s4  }
0x9b: {  	s4 =	sld [smem:$0x3FFD];
	_ =	sdelay $0x3  }
0x9c: {  	_ =	strace s4  }
0x9d: {  	_ =	strace $0x8FFFFFFF  }
0x9e: {  	s19 =	sld [smem:$0x3FDB];
	_ =	sdelay $0x1  }
0x9f: {  	s5 =	simm.s32 $_scs_section_size  }
0xa0: {  	s6 =	simm.s32 $_size__tile_overlayer_lowered;
	s7 =	simm.s32 $_tile_overlayer_lowered  }
0xa1: {  	s22 =	simm.s32 $0x1BFF;
	s21 =	sshll.u32 s7, $0x1;
	s4 =	sadd.s32 s5, s19  }
0xa2: {  	s8 =	simm.s32 $0x0;
	s20 =	sshll.u32 s6, $0x1;
	s6 =	sadd.s32 s21, s4  }
0xa3: {  	[timem:s8], [sflag:s22] =	dma.local [hbm:s6], s20  }
0xa4: {  	_ =	swait.ge [sflag:s22], s20  }
0xa5: {  	s5 =	ssub.s32 $0x0, s20;
	[sflag:s22] =	ssyncset.done $0x0  }
0xa6: {  	[sflag:s22] =	ssyncadd.s32 s5;
	_ =	sdelay $0x1  }
0xa7: {  	s23 =	simm.s32 $0x1B8B  }
0xa8: {  	_ =	swait.ge [sflag:s23], $0x1  }
0xa9: {  	[sflag:s23] =	ssyncset.done $0x0  }
0xaa: {  	s25 =	simm.s32 $0x1B8E;
	s24 =	sld [smem:$0x3FFE];
	[sflag:s23] =	ssyncadd.s32 $0xFFFFFFFF  }
0xab: {  	s26 =	simm.s32 $execute0_lowered;
	[smem:$0x3FD2] =	sst s25  }
0xac: {  	s6 =	sshll.u32 s26, $0x1;
	_ =	strace $0x80000049;
	[dreg:$0x1] =	wrdreg $0xFFFFFFFF  }
0xad: {  	s28 =	simm.s32 $_size_execute0_lowered;
	s4 =	sadd.s32 s4, s6;
	[dreg:$0x0] =	wrdreg $0x0  }
0xae: {  	s6 =	sshll.u32 s28, $0x1;
	[dreg:$0x2] =	wrdreg s4  }
0xaf: {  	[dreg:$0x3] =	wrdreg s6  }
0xb0: {  	[dreg:$0x4] =	wrdreg $0xC0  }
0xb1: {  	_ =	task [dreg:s8], $0x5FFFF  }
0xb2: {  	[dreg:$0x1] =	wrdreg $0xFFFFFFFF  }
0xb3: {  	[dreg:$0x0] =	wrdreg $0x60  }
0xb4: {  	[dreg:$0x2] =	wrdreg s16  }
0xb5: {  	[dreg:$0x3] =	wrdreg s17  }
0xb6: {  	[dreg:$0x4] =	wrdreg s24  }
0xb7: {  	[dreg:$0x5] =	wrdreg $0xA8000  }
0xb8: {  	[dreg:$0x6] =	wrdreg $0x9  }
0xb9: {  	_ =	task.clear_ibuf [dreg:s8], $0x7FFFF;
	_ =	strace $0x90000049  }
0xba: {  	s29 =	simm.s32 $0x9;
	_ =	strace $0x8000004B  }
0xbb: {  	_ =	swait.ge [sflag:s29], $0x1  }
0xbc: {  	[sflag:s29] =	ssyncadd.s32 $0xFFFFFFFF  }
0xbd: {  	_ =	strace $0x9000004B  }
0xbe: {  	_ =	sfence  }
0xbf: {  	s30 =	sld [smem:$0x0];
	_ =	sdelay $0x2  }
0xc0: {  	s31 =	sshll.u32 s1, $0xD;
	s1 =	sshrl.u32 s1, $0x2  }
0xc1: {  	s3 =	sand.u32 $0x4000, s31;
	s1 =	sadd.s32 s1, s30  }
0xc2: {  	s0 =	sor.u32 s3, s0;
	s1 =	sshll.u32 s1, $0x11  }
0xc3: {  	s0 =	sor.u32 s1, s0  }
0xc4: {  	s0 =	sadd.s32 $0x8F2B, s0  }
0xc5: {  	[sflag:s0] =	ssyncadd.remote.s32 $0x1  }
0xc6: {  	_ =	sfence.sel $0xFFFF  }
0xc7: {  	[dreg:$0x0] =	wrdreg $0xFFFFFFFF;
	(pc) =	sbr.abs _section_cstart, $3  }
0xc8: {  	[dreg:$0x1] =	wrdreg $0xFFFFFFFF  }
0xc9: {  	_ =	task.clear_ibuf [dreg:s8], $0x2FFFF;
	_ =	strace $0x9FFFFFFF  }
0xca: {  	(tm) =	ssettm $0x7FFFFFFF  }
0xcb: {  	_ =	shalt  }
tec
execute0_lowered:
.L_overlay_start_1:
0x0: {  	(tag) =	ssettag $0x1  }
0x1: {  	s1 =	rddreg [dreg:$0x0]  }
0x2: {  	s0 =	rddreg [dreg:$0x1]  }
0x3: {  	s2 =	rddreg [dreg:$0x2];
	s4 =	srdreg.scid  }
0x4: {  	s3 =	rddreg [dreg:$0x3];
	s10 =	stileid.u32  }
0x5: {  	s13 =	simm.s32 $0x5;
	s14 =	simm.s32 $0x1400;
	s15 =	simm.s32 $0x40  }
0x6: {  	s16 =	simm.s32 $0x2800;
	s17 =	simm.s32 $0x80;
	s18 =	simm.s32 $0x4800  }
0x7: {  	s19 =	simm.s32 $0x100;
	s20 =	simm.s32 $0x6800;
	s21 =	simm.s32 $0x180  }
0x8: {  	s22 =	simm.s32 $0x8800;
	s28 =	simm.s32 $0x2600;
	s29 =	simm.s32 $0x2680  }
0x9: {  	s30 =	simm.s32 $0x2700;
	s31 =	simm.s32 $0x2780;
	s7 =	smul.u32 $0x14000, s10  }
0xa: {  	s6 =	sand.u32 $0x1, s4;
	s4 =	simm.s32 $0x0;
	s8 =	smul.u32 $0x50000, s10  }
0xb: {  	s9 =	sadd.s32 $0x17400, s2;
	s25 =	sshll.u32 s10, $0x6;
	s5 =	smul.u32 $0x140000, s6  }
0xc: {  	[smem:$0x7FF] =	sst s4;
	s23 =	ssub.s32 $0x2, s6;
	s6 =	smul.u32 $0x27100, s6  }
0xd: {  	_ =	strace $0x8000004A;
	[dreg:$0x5] =	wrdreg s9;
	s24 =	sshrl.u32 s23, $0x1  }
0xe: {  	s8 =	sshrl.u32 s8, $0x2;
	s7 =	sadd.s32 s7, s5;
	s5 =	sadd.s32 $0x21A00, s2  }
0xf: {  	s11 =	ssub.s32 s23, s24;
	s12 =	sadd.s32 s8, s3;
	s8 =	smul.u32 $0xA000, s10  }
0x10: {  	s9 =	sadd.s32 s1, s6;
	s23 =	simm.s32 $0x1;
	s7 =	sshrl.u32 s7, $0x3  }
0x11: {  	s24 =	simm.s32 $0x2;
	s11 =	smax.u32 s11, $0x1;
	s2 =	sadd.s32 s7, s2  }
0x12: {  	s12 =	sshrl.u32 s12, $0x3;
	s7 =	sor.u32 $0x1C05, s25;
	s26 =	sadd.s32 $0x35A00, s2  }
0x13: {  	s25 =	simm.s32 $0x3;
	[dreg:$0x6] =	wrdreg s26;
	s26 =	simm.s32 $0x4  }
.LBB2_1:
0x14: {  	s1 =	rddreg [dreg:$0x5]  }
0x15: {  	[spmem:s12], [sflag:s7] =	dma.local [hbm:s1], $0x2800  }
0x16: {  	_ =	swait.ge [sflag:s13], $0x2800  }
0x17: {  	[sflag:s13] =	ssyncset.done $0x0  }
0x18: {  	[sflag:s13] =	ssyncadd.s32 $0xFFFFD800  }
0x19: {  	s1 =	simm.s32 $0x0;
	[bflag:$0x0] =	sbarrier.arrive $0xFFFF  }
.LBB2_2:
0x1a: {  	s2 =	smul.u32 $0x1400, s1;
	_ =	sdelay $0x1  }
0x1b: {  	s2 =	sadd.s32 s8, s2  }
0x1c: {  	s2 =	sshrl.u32 s2, $0x3  }
0x1d: {  	s10 =	simm.s32 $0x0;
	s6 =	sadd.s32 s0, s2  }
0x1e: {  	[tilespmem:s10], [sflag:$0x5] =	stream.linear.gather [hbm4b:s6+s10], $0x1400, $0x38;
	[tilespmem:$0x1E800] =	vst v63  }
0x1f: {  	_ =	swait.ge [sflag:s13], $0x1400  }
0x20: {  	[sflag:s13] =	ssyncset.done $0x0  }
0x21: {  	s2 =	sadd.s32 s5, s2;
	[sflag:s13] =	ssyncadd.s32 $0xFFFFEC00  }
0x22: {  	[tilespmem:s14], [sflag:$0x5] =	stream.linear.gather [hbm4b:s2+s10], $0x1400, $0x38;
	[tilespmem:$0x1E800] =	vst v63  }
0x23: {  	_ =	swait.ge [sflag:s13], $0x1400  }
0x24: {  	[sflag:s13] =	ssyncset.done $0x0  }
0x25: {  	[sflag:s13] =	ssyncadd.s32 $0xFFFFEC00  }
0x26: {  	[tilespmem:s16], [sflag:$0x1] =	stream.indirect.gather [hbm4b:s9+s15], $0x80, s10, s15, $0xb8;
	[tilespmem:$0x1E800] =	vst v63  }
0x27: {  	_ = 	snop  }
0x28: {  	[tilespmem:s18], [sflag:$0x2] =	stream.indirect.gather [hbm4b:s9+s15], $0x80, s17, s15, $0xb8;
	[tilespmem:$0x1E800] =	vst v63  }
0x29: {  	_ = 	snop  }
0x2a: {  	[tilespmem:s20], [sflag:$0x3] =	stream.indirect.gather [hbm4b:s9+s15], $0x80, s19, s15, $0xb8;
	[tilespmem:$0x1E800] =	vst v63  }
0x2b: {  	_ = 	snop  }
0x2c: {  	[tilespmem:s22], [sflag:$0x4] =	stream.indirect.gather [hbm4b:s9+s15], $0x80, s21, s15, $0xb8;
	[tilespmem:$0x1E800] =	vst v63  }
0x2d: {  	_ =	swait.ge [sflag:s23], $0x2000  }
0x2e: {  	[sflag:s23] =	ssyncset.done $0x0  }
0x2f: {  	s10 =	simm.s32 $0x1400;
	[sflag:s23] =	ssyncadd.s32 $0xFFFFE000  }
0x30: {  	[spmem:s3] =	stream.indirect.scatter.add.f32 [tilespmem:s16], [sflag:$0x5], $0x80, s10, s15, $0xb8;
	[tilespmem:$0x1E800] =	vst v63  }
0x31: {  	_ =	swait.ge [sflag:s13], $0x2000  }
0x32: {  	[sflag:s13] =	ssyncset.done $0x0  }
0x33: {  	s6 =	simm.s32 $0x200;
	[sflag:s13] =	ssyncadd.s32 $0xFFFFE000  }
0x34: {  	[tilespmem:s16], [sflag:$0x1] =	stream.indirect.gather [hbm4b:s9+s15], $0x80, s6, s15, $0xb8;
	[tilespmem:$0x1E800] =	vst v63  }
0x35: {  	_ =	swait.ge [sflag:s24], $0x2000  }
0x36: {  	[sflag:s24] =	ssyncset.done $0x0  }
0x37: {  	s10 =	simm.s32 $0x1480;
	[sflag:s24] =	ssyncadd.s32 $0xFFFFE000  }
0x38: {  	[spmem:s3] =	stream.indirect.scatter.add.f32 [tilespmem:s18], [sflag:$0x5], $0x80, s10, s15, $0xb8;
	[tilespmem:$0x1E800] =	vst v63  }
0x39: {  	_ =	swait.ge [sflag:s13], $0x2000  }
0x3a: {  	[sflag:s13] =	ssyncset.done $0x0  }
0x3b: {  	s6 =	simm.s32 $0x280;
	[sflag:s13] =	ssyncadd.s32 $0xFFFFE000  }
0x3c: {  	[tilespmem:s18], [sflag:$0x2] =	stream.indirect.gather [hbm4b:s9+s15], $0x80, s6, s15, $0xb8;
	[tilespmem:$0x1E800] =	vst v63  }
0x3d: {  	_ =	swait.ge [sflag:s25], $0x2000  }
0x3e: {  	[sflag:s25] =	ssyncset.done $0x0  }
0x3f: {  	s10 =	simm.s32 $0x1500;
	[sflag:s25] =	ssyncadd.s32 $0xFFFFE000  }
0x40: {  	[spmem:s3] =	stream.indirect.scatter.add.f32 [tilespmem:s20], [sflag:$0x5], $0x80, s10, s15, $0xb8;
	[tilespmem:$0x1E800] =	vst v63  }
0x41: {  	_ =	swait.ge [sflag:s13], $0x2000  }
0x42: {  	[sflag:s13] =	ssyncset.done $0x0  }
0x43: {  	s6 =	simm.s32 $0x300;
	[sflag:s13] =	ssyncadd.s32 $0xFFFFE000  }
0x44: {  	[tilespmem:s20], [sflag:$0x3] =	stream.indirect.gather [hbm4b:s9+s15], $0x80, s6, s15, $0xb8;
	[tilespmem:$0x1E800] =	vst v63  }
0x45: {  	_ =	swait.ge [sflag:s26], $0x2000  }
0x46: {  	[sflag:s26] =	ssyncset.done $0x0  }
0x47: {  	s10 =	simm.s32 $0x1580;
	[sflag:s26] =	ssyncadd.s32 $0xFFFFE000  }
0x48: {  	[spmem:s3] =	stream.indirect.scatter.add.f32 [tilespmem:s22], [sflag:$0x5], $0x80, s10, s15, $0xb8;
	[tilespmem:$0x1E800] =	vst v63  }
0x49: {  	_ =	swait.ge [sflag:s13], $0x2000  }
0x4a: {  	[sflag:s13] =	ssyncset.done $0x0  }
0x4b: {  	s2 =	simm.s32 $0x800;
	s6 =	simm.s32 $0x380;
	[sflag:s13] =	ssyncadd.s32 $0xFFFFE000  }
.LBB2_3:
0x4c: {  	[tilespmem:s22], [sflag:$0x4] =	stream.indirect.gather [hbm4b:s9+s15], $0x80, s6, s15, $0xb8;
	[tilespmem:$0x1E800] =	vst v63  }
0x4d: {  	s6 =	smov.u32 s2  }
0x4e: {  	p0 =	sne.s32 s2, $0x4000;
	s2 =	sadd.s32 $0x800, s2;
	_ =	swait.ge [sflag:s23], $0x2000  }
0x4f: {  	s6 =	sshra.s32 s6, $0x2;
	[sflag:s23] =	ssyncset.done $0x0  }
0x50: {  	s10 =	sadd.s32 $0x1400, s6;
	[sflag:s23] =	ssyncadd.s32 $0xFFFFE000  }
0x51: {  	[spmem:s3] =	stream.indirect.scatter.add.f32 [tilespmem:s16], [sflag:$0x5], $0x80, s10, s15, $0xb8;
	[tilespmem:$0x1E800] =	vst v63  }
0x52: {  	_ =	swait.ge [sflag:s13], $0x2000  }
0x53: {  	[sflag:s13] =	ssyncset.done $0x0  }
0x54: {  	s10 =	sadd.s32 $0x200, s6;
	[sflag:s13] =	ssyncadd.s32 $0xFFFFE000  }
0x55: {  	[tilespmem:s16], [sflag:$0x1] =	stream.indirect.gather [hbm4b:s9+s15], $0x80, s10, s15, $0xb8;
	[tilespmem:$0x1E800] =	vst v63  }
0x56: {  	_ =	swait.ge [sflag:s24], $0x2000  }
0x57: {  	[sflag:s24] =	ssyncset.done $0x0  }
0x58: {  	s10 =	sadd.s32 $0x1480, s6;
	[sflag:s24] =	ssyncadd.s32 $0xFFFFE000  }
0x59: {  	[spmem:s3] =	stream.indirect.scatter.add.f32 [tilespmem:s18], [sflag:$0x5], $0x80, s10, s15, $0xb8;
	[tilespmem:$0x1E800] =	vst v63  }
0x5a: {  	_ =	swait.ge [sflag:s13], $0x2000  }
0x5b: {  	[sflag:s13] =	ssyncset.done $0x0  }
0x5c: {  	s10 =	sadd.s32 $0x280, s6;
	[sflag:s13] =	ssyncadd.s32 $0xFFFFE000  }
0x5d: {  	[tilespmem:s18], [sflag:$0x2] =	stream.indirect.gather [hbm4b:s9+s15], $0x80, s10, s15, $0xb8;
	[tilespmem:$0x1E800] =	vst v63  }
0x5e: {  	_ =	swait.ge [sflag:s25], $0x2000  }
0x5f: {  	[sflag:s25] =	ssyncset.done $0x0  }
0x60: {  	s10 =	sadd.s32 $0x1500, s6;
	[sflag:s25] =	ssyncadd.s32 $0xFFFFE000  }
0x61: {  	[spmem:s3] =	stream.indirect.scatter.add.f32 [tilespmem:s20], [sflag:$0x5], $0x80, s10, s15, $0xb8;
	[tilespmem:$0x1E800] =	vst v63  }
0x62: {  	_ =	swait.ge [sflag:s13], $0x2000  }
0x63: {  	[sflag:s13] =	ssyncset.done $0x0  }
0x64: {  	s10 =	sadd.s32 $0x300, s6;
	[sflag:s13] =	ssyncadd.s32 $0xFFFFE000  }
0x65: {  	[tilespmem:s20], [sflag:$0x3] =	stream.indirect.gather [hbm4b:s9+s15], $0x80, s10, s15, $0xb8;
	[tilespmem:$0x1E800] =	vst v63  }
0x66: {  	_ =	swait.ge [sflag:s26], $0x2000  }
0x67: {  	[sflag:s26] =	ssyncset.done $0x0  }
.Ltmp0:
0x68: {  	s10 =	sadd.s32 $0x1580, s6;
	[sflag:s26] =	ssyncadd.s32 $0xFFFFE000;
	(pc) =	sbr.rel @p0 .LBB2_3-.Ltmp0, $4  }
0x69: {  	[spmem:s3] =	stream.indirect.scatter.add.f32 [tilespmem:s22], [sflag:$0x5], $0x80, s10, s15, $0xb8;
	[tilespmem:$0x1E800] =	vst v63  }
0x6a: {  	_ =	swait.ge [sflag:s13], $0x2000  }
0x6b: {  	[sflag:s13] =	ssyncset.done $0x0  }
0x6c: {  	s6 =	sadd.s32 $0x380, s6;
	[sflag:s13] =	ssyncadd.s32 $0xFFFFE000  }
0x6d: {  	[tilespmem:s22], [sflag:$0x4] =	stream.indirect.gather [hbm4b:s9+s15], $0x80, s6, s15, $0xb8;
	[tilespmem:$0x1E800] =	vst v63  }
0x6e: {  	_ =	swait.ge [sflag:s23], $0x2000  }
0x6f: {  	[sflag:s23] =	ssyncset.done $0x0  }
0x70: {  	[sflag:s23] =	ssyncadd.s32 $0xFFFFE000  }
0x71: {  	[spmem:s3] =	stream.indirect.scatter.add.f32 [tilespmem:s16], [sflag:$0x5], $0x80, s28, s15, $0xb8;
	[tilespmem:$0x1E800] =	vst v63  }
0x72: {  	_ =	swait.ge [sflag:s13], $0x2000  }
0x73: {  	[sflag:s13] =	ssyncset.done $0x0  }
0x74: {  	[sflag:s13] =	ssyncadd.s32 $0xFFFFE000  }
0x75: {  	_ =	swait.ge [sflag:s24], $0x2000  }
0x76: {  	[sflag:s24] =	ssyncset.done $0x0  }
0x77: {  	[sflag:s24] =	ssyncadd.s32 $0xFFFFE000  }
0x78: {  	[spmem:s3] =	stream.indirect.scatter.add.f32 [tilespmem:s18], [sflag:$0x5], $0x80, s29, s15, $0xb8;
	[tilespmem:$0x1E800] =	vst v63  }
0x79: {  	_ =	swait.ge [sflag:s13], $0x2000  }
0x7a: {  	[sflag:s13] =	ssyncset.done $0x0  }
0x7b: {  	[sflag:s13] =	ssyncadd.s32 $0xFFFFE000  }
0x7c: {  	_ =	swait.ge [sflag:s25], $0x2000  }
0x7d: {  	[sflag:s25] =	ssyncset.done $0x0  }
0x7e: {  	[sflag:s25] =	ssyncadd.s32 $0xFFFFE000  }
0x7f: {  	[spmem:s3] =	stream.indirect.scatter.add.f32 [tilespmem:s20], [sflag:$0x5], $0x80, s30, s15, $0xb8;
	[tilespmem:$0x1E800] =	vst v63  }
0x80: {  	_ =	swait.ge [sflag:s13], $0x2000  }
0x81: {  	[sflag:s13] =	ssyncset.done $0x0  }
0x82: {  	[sflag:s13] =	ssyncadd.s32 $0xFFFFE000  }
0x83: {  	s1 =	sadd.s32 $0x1, s1;
	_ =	swait.ge [sflag:s26], $0x2000  }
0x84: {  	p0 =	sne.s32 s1, $0x8;
	[sflag:s26] =	ssyncset.done $0x0  }
.Ltmp1:
0x85: {  	[sflag:s26] =	ssyncadd.s32 $0xFFFFE000;
	(pc) =	sbr.rel @p0 .LBB2_2-.Ltmp1, $4  }
0x86: {  	[spmem:s3] =	stream.indirect.scatter.add.f32 [tilespmem:s22], [sflag:$0x5], $0x80, s31, s15, $0xb8;
	[tilespmem:$0x1E800] =	vst v63  }
0x87: {  	_ =	swait.ge [sflag:s13], $0x2000  }
0x88: {  	[sflag:s13] =	ssyncset.done $0x0  }
0x89: {  	[sflag:s13] =	ssyncadd.s32 $0xFFFFE000  }
0x8a: {  	s4 =	sadd.s32 $0x1, s4  }
0x8b: {  	[bflag:$0x0] =	sbarrier.arrive $0xFFFF;
	p0 =	sne.s32 s4, s11  }
.Ltmp2:
0x8c: {  	s1 =	rddreg [dreg:$0x6];
	(pc) =	sbr.rel @p0 .LBB2_1-.Ltmp2, $4  }
0x8d: {  	[hbm:s1], [sflag:s7] =	dma.local [spmem:s12], $0x2800  }
0x8e: {  	_ =	swait.ge [sflag:s13], $0x2800  }
0x8f: {  	[sflag:s13] =	ssyncset.done $0x0  }
0x90: {  	[sflag:s13] =	ssyncadd.s32 $0xFFFFD800  }
0x91: {  	_ =	sfence.sel $0x180000  }
0x92: {  	[bflag:$0x0] =	sbarrier.arrive $0xFFFF  }
0x93: {  	_ =	strace $0x9000004A  }
0x94: {  	s0 =	stileid.u32;
	[bflag:$0x2] =	sbarrier.arrive $0xFFFF  }
0x95: {  	p0 =	sne.s32 s0, $0x0;
	s0 =	rddreg [dreg:$0x4]  }
0x96: {  	s0 =	sadd.s32 @!p0 $0x100000, s0  }
0x97: {  	[sflag:s0] =	ssyncadd.tile.s32 @!p0 $0x1;
	_ =	shalt  }
.Lfunc_end2:
_tile_overlayer_lowered:
.L_overlay_start_2:
0x98: {  	(tag) =	ssettag $0x2  }
0x99: {  	s0 =	rddreg [dreg:$0x0];
	s2 =	stileid.u32  }
0x9a: {  	s1 =	rddreg [dreg:$0x1];
	p0 =	sne.s32 s2, $0x0  }
0x9b: {  	s3 =	rddreg [dreg:$0x2];
	[bflag:$0x3] =	sbarrier.arrive $0xFFFF;
	s2 =	simm.s32 @!p0 $0x1C05  }
0x9c: {  	[timem:s3], [sflag:s2] =	dma.local @!p0 [hbm:s0], s1  }
0x9d: {  	s0 =	simm.s32 @!p0 $0x5  }
0x9e: {  	_ =	swait.ge @!p0 [sflag:s0], s1  }
0x9f: {  	s1 =	ssub.s32 @!p0 $0x0, s1;
	[sflag:s0] =	ssyncset.done @!p0 $0x0  }
0xa0: {  	[sflag:s0] =	ssyncadd.s32 @!p0 s1  }
0xa1: {  	[bflag:$0x3] =	sbarrier.arrive $0xFFFF  }
0xa2: {  	_ =	shalt  }

// kernel: kernel.16.cloned.1.call-start
scs
__scs_entry_jumppad:
0x0: {  	(pc) =	sbr.rel $0x88, $3  }
0x1: {  	(tag) =	ssettag $0x0;
	lr =	simm.s32 $0x1  }
0x2: {  	[smem:$0x3F9B] =	sst lr;
	_ =	strace $0xD0000000  }
0x3: {  	_ = 	snop  }
0x4: {  	_ = 	snop  }
0x5: {  	_ = 	snop  }
0x6: {  	_ = 	snop  }
0x7: {  	_ = 	snop  }
__scs_overlays_trampoline_lowered:
0x8: {  	[smem:$0x3FAA] =	sst s0  }
0x9: {  	[smem:$0x3FAB] =	sst s1  }
0xa: {  	[smem:$0x3FAC] =	sst s2  }
0xb: {  	[smem:$0x3FAD] =	sst s3  }
0xc: {  	[smem:$0x3FAE] =	sst s4  }
0xd: {  	[smem:$0x3FAF] =	sst s5  }
0xe: {  	[smem:$0x3FB0] =	sst s6  }
0xf: {  	[smem:$0x3FB1] =	sst s7  }
0x10: {  	[smem:$0x3FB2] =	sst s8  }
0x11: {  	[smem:$0x3FB3] =	sst s9;
	s0 =	simm.s32 @!p0 $0x0  }
0x12: {  	s1 =	sld [smem:$0x3F99];
	s0 =	simm.s32 @p0 $0x1  }
0x13: {  	[smem:$0x3FB4] =	sst s0;
	s0 =	simm.s32 @!p1 $0x0  }
0x14: {  	s2 =	sld [smem:$0x3F98];
	s0 =	simm.s32 @p1 $0x1  }
0x15: {  	[smem:$0x3FB5] =	sst s0;
	s0 =	simm.s32 @!p2 $0x0  }
0x16: {  	s3 =	sld [smem:$0x3FDB];
	s0 =	simm.s32 @p2 $0x1  }
0x17: {  	s4 =	simm.s32 $0x1BF5;
	[smem:$0x3FB7] =	sst s0  }
0x18: {  	s0 =	sld [smem:$0x3F9A];
	_ =	swait.ge [sflag:s4], $0x0  }
0x19: {  	s7 =	sld [smem:$0x3F9B]  }
0x1a: {  	s8 =	sadd.s32 $0xFFFFE003, lr  }
0x1b: {  	s9 =	sadd.s32 $0xFFFFFEF7, lr;
	s5 =	simm.s32 $0xFFFFFFFF;
	p2 =	slt.u32 s8, $0xFFFFF086  }
0x1c: {  	p1 =	slt.u32 s9, $0xF7A;
	s5 =	simm.s32 @!p2 $0x0  }
0x1d: {  	s5 =	simm.s32 @p1 $0x1;
	p0 =	seq.s32 s7, s2  }
0x1e: {  	s7 =	smul.u32 @!p0 $0xF7A, s2;
	p2 =	seq.s32 @!p0 s5, $0x0  }
0x1f: {  	s9 =	smul.u32 $0xF7A, s1;
	s8 =	simm.s32 @!p0 $0x1BF5;
	p2 =	por !p2, p0  }
0x20: {  	[sflag:s8] =	ssyncset.s32 @!p0 $0xFFFFF086;
	s6 =	sadd.s32 @!p0 s3, s7;
	s7 =	simm.s32 @!p0 $0x108  }
0x21: {  	s3 =	sadd.s32 s3, s9;
	s6 =	sadd.s32 @!p0 $0x88, s6;
	s7 =	simm.s32 @p2 $0x1082  }
0x22: {  	[simem:s7], [sflag:s8] =	dma.local @!p0 [hbm:s6], $0xF7A  }
0x23: {  	s9 =	sor.u32 $0xD0000000, s2;
	s6 =	simm.s32 $0x108;
	_ =	swait.ge @!p0 [sflag:s8], $0x0  }
0x24: {  	s3 =	sadd.s32 $0x88, s3;
	s6 =	simm.s32 @!p1 $0x1082;
	[sflag:s4] =	ssyncset.s32 $0xFFFFF086  }
0x25: {  	[simem:s6], [sflag:s4] =	dma.local [hbm:s3], $0xF7A  }
0x26: {  	[smem:$0x3F9B] =	sst s1;
	(tag) =	ssettag s2;
	_ =	strace s9  }
0x27: {  	s1 =	sld [smem:$0x3FAB]  }
0x28: {  	s2 =	sld [smem:$0x3FAC]  }
0x29: {  	s4 =	sld [smem:$0x3FAE]  }
0x2a: {  	p0 =	seq.s32 s5, $0x0;
	s5 =	sld [smem:$0x3FAF]  }
0x2b: {  	s6 =	sld [smem:$0x3FB0]  }
0x2c: {  	s7 =	sld [smem:$0x3FB1]  }
0x2d: {  	s3 =	simm.s32 $0x108;
	s8 =	sld [smem:$0x3FB2]  }
0x2e: {  	s3 =	simm.s32 @!p0 $0x1082;
	s9 =	sld [smem:$0x3FB3]  }
0x2f: {  	lr =	sadd.s32 s0, s3;
	s0 =	sld [smem:$0x3FAA]  }
0x30: {  	s3 =	sld [smem:$0x3FAD]  }
0x31: {  	[smem:$0x3FB6] =	sst s10  }
0x32: {  	s10 =	sld [smem:$0x3FB4];
	_ =	sdelay $0x3  }
0x33: {  	p0 =	seq.s32 s10, $0x1;
	s10 =	sld [smem:$0x3FB6];
	_ =	sdelay $0x3  }
0x34: {  	[smem:$0x3FB6] =	sst s10  }
0x35: {  	s10 =	sld [smem:$0x3FB5];
	_ =	sdelay $0x3  }
0x36: {  	p1 =	seq.s32 s10, $0x1;
	s10 =	sld [smem:$0x3FB6];
	_ =	sdelay $0x3  }
0x37: {  	[smem:$0x3FB6] =	sst s10  }
0x38: {  	s10 =	sld [smem:$0x3FB7]  }
0x39: {  	_ = 	snop;
	(pc) =	sbr.ind lr, $3  }
0x3a: {  	_ = 	snop  }
0x3b: {  	_ = 	snop  }
0x3c: {  	p2 =	seq.s32 s10, $0x1;
	s10 =	sld [smem:$0x3FB6]  }
0x3d: {  	_ =	shalt  }
0x3e: {  	_ =	shalt  }
0x3f: {  	_ =	shalt  }
0x40: {  	_ =	shalt  }
0x41: {  	_ =	shalt  }
0x42: {  	_ =	shalt  }
0x43: {  	_ =	shalt  }
0x44: {  	_ =	shalt  }
0x45: {  	_ =	shalt  }
0x46: {  	_ =	shalt  }
0x47: {  	_ =	shalt  }
0x48: {  	_ =	shalt  }
0x49: {  	_ =	shalt  }
0x4a: {  	_ =	shalt  }
0x4b: {  	_ =	shalt  }
0x4c: {  	_ =	shalt  }
0x4d: {  	_ =	shalt  }
0x4e: {  	_ =	shalt  }
0x4f: {  	_ =	shalt  }
0x50: {  	_ =	shalt  }
0x51: {  	_ =	shalt  }
0x52: {  	_ =	shalt  }
0x53: {  	_ =	shalt  }
0x54: {  	_ =	shalt  }
0x55: {  	_ =	shalt  }
0x56: {  	_ =	shalt  }
0x57: {  	_ =	shalt  }
0x58: {  	_ =	shalt  }
0x59: {  	_ =	shalt  }
0x5a: {  	_ =	shalt  }
0x5b: {  	_ =	shalt  }
0x5c: {  	_ =	shalt  }
0x5d: {  	_ =	shalt  }
0x5e: {  	_ =	shalt  }
0x5f: {  	_ =	shalt  }
0x60: {  	_ =	shalt  }
0x61: {  	_ =	shalt  }
0x62: {  	_ =	shalt  }
0x63: {  	_ =	shalt  }
0x64: {  	_ =	shalt  }
0x65: {  	_ =	shalt  }
0x66: {  	_ =	shalt  }
0x67: {  	_ =	shalt  }
0x68: {  	_ =	shalt  }
0x69: {  	_ =	shalt  }
0x6a: {  	_ =	shalt  }
0x6b: {  	_ =	shalt  }
0x6c: {  	_ =	shalt  }
0x6d: {  	_ =	shalt  }
0x6e: {  	_ =	shalt  }
0x6f: {  	_ =	shalt  }
0x70: {  	_ =	shalt  }
0x71: {  	_ =	shalt  }
0x72: {  	_ =	shalt  }
0x73: {  	_ =	shalt  }
0x74: {  	_ =	shalt  }
0x75: {  	_ =	shalt  }
0x76: {  	_ =	shalt  }
0x77: {  	_ =	shalt  }
0x78: {  	_ =	shalt  }
0x79: {  	_ =	shalt  }
0x7a: {  	_ =	shalt  }
0x7b: {  	_ =	shalt  }
0x7c: {  	_ =	shalt  }
0x7d: {  	_ =	shalt  }
0x7e: {  	_ =	shalt  }
0x7f: {  	_ =	shalt  }
0x80: {  	_ =	shalt  }
0x81: {  	_ =	shalt  }
0x82: {  	_ =	shalt  }
0x83: {  	_ =	shalt  }
0x84: {  	_ =	shalt  }
0x85: {  	_ =	shalt  }
0x86: {  	_ =	shalt  }
0x87: {  	_ =	shalt  }
.Lfunc_end0:
.L_simem_size_0:
called_computation.2_lowered:
.L_overlay_start_0:
0x88: {  	s2 =	sld [smem:$0x3FD9]  }
0x89: {  	s3 =	sld [smem:$0x3FFE];
	_ =	sdelay $0x1  }
0x8a: {  	s1 =	srdreg.scid  }
0x8b: {  	s0 =	sand.u32 $0x1, s1  }
0x8c: {  	s14 =	sshll.u32 s0, $0xA;
	s2 =	sadd.s32 s3, s2  }
0x8d: {  	s2 =	sadd.s32 s2, s14  }
0x8e: {  	[smem:$0x3FC2] =	sst s2  }
0x8f: {  	_ = 	snop  }
0x90: {  	s2 =	sld [smem:$0x3FD0];
	_ =	sdelay $0x2  }
0x91: {  	s15 =	simm.s32 $0xA;
	s4 =	simm.s32 $0x10  }
0x92: {  	[smem:s4], [sflag:s15] =	dma.local [hbm:s2], $0x1  }
0x93: {  	_ =	swait.eq [sflag:s15], $0x1  }
0x94: {  	[sflag:s15] =	ssyncset.done $0x0  }
0x95: {  	[sflag:s15] =	ssyncadd.s32 $0xFFFFFFFF  }
0x96: {  	s16 =	sld [smem:$0x11];
	(tm) =	ssettm $0x1  }
0x97: {  	s17 =	sld [smem:$0x3FFB];
	_ =	sdelay $0x3  }
0x98: {  	_ =	strace s17  }
0x99: {  	s3 =	sld [smem:$0x3FFC];
	_ =	sdelay $0x3  }
0x9a: {  	_ =	strace s3  }
0x9b: {  	s3 =	sld [smem:$0x3FFD];
	_ =	sdelay $0x3  }
0x9c: {  	_ =	strace s3  }
0x9d: {  	_ =	strace $0x8FFFFFFF  }
0x9e: {  	s18 =	sld [smem:$0x3FDB];
	_ =	sdelay $0x1  }
0x9f: {  	s19 =	simm.s32 $_scs_section_size  }
0xa0: {  	s5 =	simm.s32 $_size__tile_overlayer_lowered;
	s6 =	simm.s32 $_tile_overlayer_lowered  }
0xa1: {  	s22 =	simm.s32 $0x1BFF;
	s21 =	sshll.u32 s6, $0x1;
	s3 =	sadd.s32 s19, s18  }
0xa2: {  	s7 =	simm.s32 $0x0;
	s20 =	sshll.u32 s5, $0x1;
	s5 =	sadd.s32 s21, s3  }
0xa3: {  	[timem:s7], [sflag:s22] =	dma.local [hbm:s5], s20  }
0xa4: {  	_ =	swait.ge [sflag:s22], s20  }
0xa5: {  	s4 =	ssub.s32 $0x0, s20;
	[sflag:s22] =	ssyncset.done $0x0  }
0xa6: {  	[sflag:s22] =	ssyncadd.s32 s4;
	_ =	sdelay $0x1  }
0xa7: {  	s23 =	simm.s32 $0x1B8B  }
0xa8: {  	_ =	swait.ge [sflag:s23], $0x1  }
0xa9: {  	[sflag:s23] =	ssyncset.done $0x0  }
0xaa: {  	s25 =	simm.s32 $0x1B8E;
	s24 =	sld [smem:$0x3FFE];
	[sflag:s23] =	ssyncadd.s32 $0xFFFFFFFF  }
0xab: {  	s26 =	simm.s32 $execute0_lowered;
	[smem:$0x3FD2] =	sst s25  }
0xac: {  	s5 =	sshll.u32 s26, $0x1;
	_ =	strace $0x8000004C;
	[dreg:$0x1] =	wrdreg $0xFFFFFFFF  }
0xad: {  	s28 =	simm.s32 $_size_execute0_lowered;
	s3 =	sadd.s32 s3, s5;
	[dreg:$0x0] =	wrdreg $0x0  }
0xae: {  	s5 =	sshll.u32 s28, $0x1;
	[dreg:$0x2] =	wrdreg s3  }
0xaf: {  	[dreg:$0x3] =	wrdreg s5  }
0xb0: {  	[dreg:$0x4] =	wrdreg $0xC0  }
0xb1: {  	_ =	task [dreg:s7], $0x5FFFF  }
0xb2: {  	[dreg:$0x1] =	wrdreg $0xFFFFFFFF  }
0xb3: {  	[dreg:$0x0] =	wrdreg $0x60  }
0xb4: {  	[dreg:$0x2] =	wrdreg s16  }
0xb5: {  	[dreg:$0x3] =	wrdreg s24  }
0xb6: {  	[dreg:$0x4] =	wrdreg $0xA8000  }
0xb7: {  	[dreg:$0x5] =	wrdreg $0x9  }
0xb8: {  	_ =	task.clear_ibuf [dreg:s7], $0x6FFFF;
	_ =	strace $0x9000004C  }
0xb9: {  	s29 =	simm.s32 $0x9;
	_ =	strace $0x8000004E  }
0xba: {  	_ =	swait.ge [sflag:s29], $0x1  }
0xbb: {  	[sflag:s29] =	ssyncadd.s32 $0xFFFFFFFF  }
0xbc: {  	_ =	strace $0x9000004E  }
0xbd: {  	_ =	sfence  }
0xbe: {  	s30 =	sld [smem:$0x0];
	_ =	sdelay $0x2  }
0xbf: {  	s31 =	sshll.u32 s1, $0xD;
	s1 =	sshrl.u32 s1, $0x2  }
0xc0: {  	s3 =	sand.u32 $0x4000, s31;
	s1 =	sadd.s32 s1, s30  }
0xc1: {  	s0 =	sor.u32 s3, s0;
	s1 =	sshll.u32 s1, $0x11  }
0xc2: {  	s0 =	sor.u32 s1, s0  }
0xc3: {  	s0 =	sadd.s32 $0x8F2B, s0  }
0xc4: {  	[sflag:s0] =	ssyncadd.remote.s32 $0x1  }
0xc5: {  	_ =	sfence.sel $0xFFFF  }
0xc6: {  	[dreg:$0x0] =	wrdreg $0xFFFFFFFF;
	(pc) =	sbr.abs _section_cstart, $3  }
0xc7: {  	[dreg:$0x1] =	wrdreg $0xFFFFFFFF  }
0xc8: {  	_ =	task.clear_ibuf [dreg:s7], $0x2FFFF;
	_ =	strace $0x9FFFFFFF  }
0xc9: {  	(tm) =	ssettm $0x7FFFFFFF  }
tec
execute0_lowered:
.L_overlay_start_1:
0x0: {  	(tag) =	ssettag $0x1  }
0x1: {  	s1 =	rddreg [dreg:$0x0]  }
0x2: {  	s0 =	rddreg [dreg:$0x1]  }
0x3: {  	s2 =	rddreg [dreg:$0x2]  }
0x4: {  	s3 =	srdreg.scid;
	s4 =	simm.s32 $0x0;
	s11 =	stileid.u32  }
0x5: {  	s13 =	simm.s32 $0x5;
	s14 =	simm.s32 $0x1400;
	s15 =	simm.s32 $0x40  }
0x6: {  	s16 =	simm.s32 $0x2800;
	s17 =	simm.s32 $0x80;
	s18 =	simm.s32 $0x4800  }
0x7: {  	s19 =	simm.s32 $0x100;
	s20 =	simm.s32 $0x6800;
	s21 =	simm.s32 $0x180  }
0x8: {  	s28 =	simm.s32 $0x2600;
	s29 =	simm.s32 $0x2680;
	s30 =	simm.s32 $0x2700  }
0x9: {  	s31 =	simm.s32 $0x2780;
	s3 =	sand.u32 $0x1, s3;
	[smem:$0x7FF] =	sst s4  }
0xa: {  	s8 =	smul.u32 $0x14000, s11;
	s5 =	sadd.s32 $0x85A00, s0;
	s6 =	sadd.s32 $0x3400, s0  }
0xb: {  	s9 =	sadd.s32 $0x17400, s0;
	s10 =	smul.u32 $0x50000, s11;
	s26 =	sshll.u32 s11, $0x6  }
0xc: {  	s7 =	smul.u32 $0x140000, s3;
	_ =	strace $0x8000004D;
	s22 =	ssub.s32 $0x2, s3  }
0xd: {  	[dreg:$0x4] =	wrdreg s9;
	s3 =	sshll.u32 s3, $0x4;
	s23 =	sshrl.u32 s22, $0x1  }
0xe: {  	s3 =	sor.u32 s11, s3;
	s25 =	sshrl.u32 s10, $0x2;
	s7 =	sadd.s32 s8, s7  }
0xf: {  	s24 =	ssub.s32 s22, s23;
	s12 =	sadd.s32 s25, s2;
	s8 =	sor.u32 $0x1C05, s26  }
0x10: {  	s9 =	smul.u32 $0x5000, s3;
	s22 =	simm.s32 $0x8800;
	s7 =	sshrl.u32 s7, $0x3  }
0x11: {  	s23 =	simm.s32 $0x1;
	s25 =	simm.s32 $0x3;
	s0 =	sadd.s32 s7, s0  }
0x12: {  	s26 =	simm.s32 $0x4;
	s11 =	smax.u32 s24, $0x1;
	s0 =	sadd.s32 $0x19C00, s0  }
0x13: {  	s12 =	sshrl.u32 s12, $0x3;
	s24 =	simm.s32 $0x2;
	[dreg:$0x5] =	wrdreg s0  }
.LBB2_1:
0x14: {  	s0 =	rddreg [dreg:$0x4]  }
0x15: {  	[spmem:s12], [sflag:s8] =	dma.local [hbm:s0], $0x2800  }
0x16: {  	_ =	swait.ge [sflag:s13], $0x2800  }
0x17: {  	[sflag:s13] =	ssyncset.done $0x0  }
0x18: {  	[sflag:s13] =	ssyncadd.s32 $0xFFFFD800  }
0x19: {  	s0 =	simm.s32 $0x0;
	[bflag:$0x0] =	sbarrier.arrive $0xFFFF  }
.LBB2_2:
0x1a: {  	s3 =	smul.u32 $0x1400, s0;
	_ =	sdelay $0x1  }
0x1b: {  	s3 =	sadd.s32 s9, s3  }
0x1c: {  	s3 =	sshrl.u32 s3, $0x3  }
0x1d: {  	s10 =	simm.s32 $0x0;
	s7 =	sadd.s32 s5, s3  }
0x1e: {  	[tilespmem:s10], [sflag:$0x5] =	stream.linear.gather [hbm4b:s7+s10], $0x1400, $0x38;
	[tilespmem:$0x1E800] =	vst v63  }
0x1f: {  	_ =	swait.ge [sflag:s13], $0x1400  }
0x20: {  	[sflag:s13] =	ssyncset.done $0x0  }
0x21: {  	s3 =	sadd.s32 s6, s3;
	[sflag:s13] =	ssyncadd.s32 $0xFFFFEC00  }
0x22: {  	[tilespmem:s14], [sflag:$0x5] =	stream.linear.gather [hbm4b:s3+s10], $0x1400, $0x38;
	[tilespmem:$0x1E800] =	vst v63  }
0x23: {  	_ =	swait.ge [sflag:s13], $0x1400  }
0x24: {  	[sflag:s13] =	ssyncset.done $0x0  }
0x25: {  	[sflag:s13] =	ssyncadd.s32 $0xFFFFEC00  }
0x26: {  	[tilespmem:s16], [sflag:$0x1] =	stream.indirect.gather [hbm4b:s1+s15], $0x80, s10, s15, $0xb8;
	[tilespmem:$0x1E800] =	vst v63  }
0x27: {  	_ = 	snop  }
0x28: {  	[tilespmem:s18], [sflag:$0x2] =	stream.indirect.gather [hbm4b:s1+s15], $0x80, s17, s15, $0xb8;
	[tilespmem:$0x1E800] =	vst v63  }
0x29: {  	_ = 	snop  }
0x2a: {  	[tilespmem:s20], [sflag:$0x3] =	stream.indirect.gather [hbm4b:s1+s15], $0x80, s19, s15, $0xb8;
	[tilespmem:$0x1E800] =	vst v63  }
0x2b: {  	_ = 	snop  }
0x2c: {  	[tilespmem:s22], [sflag:$0x4] =	stream.indirect.gather [hbm4b:s1+s15], $0x80, s21, s15, $0xb8;
	[tilespmem:$0x1E800] =	vst v63  }
0x2d: {  	_ =	swait.ge [sflag:s23], $0x2000  }
0x2e: {  	[sflag:s23] =	ssyncset.done $0x0  }
0x2f: {  	s10 =	simm.s32 $0x1400;
	[sflag:s23] =	ssyncadd.s32 $0xFFFFE000  }
0x30: {  	[spmem:s2] =	stream.indirect.scatter.add.f32 [tilespmem:s16], [sflag:$0x5], $0x80, s10, s15, $0xb8;
	[tilespmem:$0x1E800] =	vst v63  }
0x31: {  	_ =	swait.ge [sflag:s13], $0x2000  }
0x32: {  	[sflag:s13] =	ssyncset.done $0x0  }
0x33: {  	s7 =	simm.s32 $0x200;
	[sflag:s13] =	ssyncadd.s32 $0xFFFFE000  }
0x34: {  	[tilespmem:s16], [sflag:$0x1] =	stream.indirect.gather [hbm4b:s1+s15], $0x80, s7, s15, $0xb8;
	[tilespmem:$0x1E800] =	vst v63  }
0x35: {  	_ =	swait.ge [sflag:s24], $0x2000  }
0x36: {  	[sflag:s24] =	ssyncset.done $0x0  }
0x37: {  	s10 =	simm.s32 $0x1480;
	[sflag:s24] =	ssyncadd.s32 $0xFFFFE000  }
0x38: {  	[spmem:s2] =	stream.indirect.scatter.add.f32 [tilespmem:s18], [sflag:$0x5], $0x80, s10, s15, $0xb8;
	[tilespmem:$0x1E800] =	vst v63  }
0x39: {  	_ =	swait.ge [sflag:s13], $0x2000  }
0x3a: {  	[sflag:s13] =	ssyncset.done $0x0  }
0x3b: {  	s7 =	simm.s32 $0x280;
	[sflag:s13] =	ssyncadd.s32 $0xFFFFE000  }
0x3c: {  	[tilespmem:s18], [sflag:$0x2] =	stream.indirect.gather [hbm4b:s1+s15], $0x80, s7, s15, $0xb8;
	[tilespmem:$0x1E800] =	vst v63  }
0x3d: {  	_ =	swait.ge [sflag:s25], $0x2000  }
0x3e: {  	[sflag:s25] =	ssyncset.done $0x0  }
0x3f: {  	s10 =	simm.s32 $0x1500;
	[sflag:s25] =	ssyncadd.s32 $0xFFFFE000  }
0x40: {  	[spmem:s2] =	stream.indirect.scatter.add.f32 [tilespmem:s20], [sflag:$0x5], $0x80, s10, s15, $0xb8;
	[tilespmem:$0x1E800] =	vst v63  }
0x41: {  	_ =	swait.ge [sflag:s13], $0x2000  }
0x42: {  	[sflag:s13] =	ssyncset.done $0x0  }
0x43: {  	s7 =	simm.s32 $0x300;
	[sflag:s13] =	ssyncadd.s32 $0xFFFFE000  }
0x44: {  	[tilespmem:s20], [sflag:$0x3] =	stream.indirect.gather [hbm4b:s1+s15], $0x80, s7, s15, $0xb8;
	[tilespmem:$0x1E800] =	vst v63  }
0x45: {  	_ =	swait.ge [sflag:s26], $0x2000  }
0x46: {  	[sflag:s26] =	ssyncset.done $0x0  }
0x47: {  	s10 =	simm.s32 $0x1580;
	[sflag:s26] =	ssyncadd.s32 $0xFFFFE000  }
0x48: {  	[spmem:s2] =	stream.indirect.scatter.add.f32 [tilespmem:s22], [sflag:$0x5], $0x80, s10, s15, $0xb8;
	[tilespmem:$0x1E800] =	vst v63  }
0x49: {  	_ =	swait.ge [sflag:s13], $0x2000  }
0x4a: {  	[sflag:s13] =	ssyncset.done $0x0  }
0x4b: {  	s3 =	simm.s32 $0x800;
	s7 =	simm.s32 $0x380;
	[sflag:s13] =	ssyncadd.s32 $0xFFFFE000  }
.LBB2_3:
0x4c: {  	[tilespmem:s22], [sflag:$0x4] =	stream.indirect.gather [hbm4b:s1+s15], $0x80, s7, s15, $0xb8;
	[tilespmem:$0x1E800] =	vst v63  }
0x4d: {  	s7 =	smov.u32 s3  }
0x4e: {  	p0 =	sne.s32 s3, $0x4000;
	s3 =	sadd.s32 $0x800, s3;
	_ =	swait.ge [sflag:s23], $0x2000  }
0x4f: {  	s7 =	sshra.s32 s7, $0x2;
	[sflag:s23] =	ssyncset.done $0x0  }
0x50: {  	s10 =	sadd.s32 $0x1400, s7;
	[sflag:s23] =	ssyncadd.s32 $0xFFFFE000  }
0x51: {  	[spmem:s2] =	stream.indirect.scatter.add.f32 [tilespmem:s16], [sflag:$0x5], $0x80, s10, s15, $0xb8;
	[tilespmem:$0x1E800] =	vst v63  }
0x52: {  	_ =	swait.ge [sflag:s13], $0x2000  }
0x53: {  	[sflag:s13] =	ssyncset.done $0x0  }
0x54: {  	s10 =	sadd.s32 $0x200, s7;
	[sflag:s13] =	ssyncadd.s32 $0xFFFFE000  }
0x55: {  	[tilespmem:s16], [sflag:$0x1] =	stream.indirect.gather [hbm4b:s1+s15], $0x80, s10, s15, $0xb8;
	[tilespmem:$0x1E800] =	vst v63  }
0x56: {  	_ =	swait.ge [sflag:s24], $0x2000  }
0x57: {  	[sflag:s24] =	ssyncset.done $0x0  }
0x58: {  	s10 =	sadd.s32 $0x1480, s7;
	[sflag:s24] =	ssyncadd.s32 $0xFFFFE000  }
0x59: {  	[spmem:s2] =	stream.indirect.scatter.add.f32 [tilespmem:s18], [sflag:$0x5], $0x80, s10, s15, $0xb8;
	[tilespmem:$0x1E800] =	vst v63  }
0x5a: {  	_ =	swait.ge [sflag:s13], $0x2000  }
0x5b: {  	[sflag:s13] =	ssyncset.done $0x0  }
0x5c: {  	s10 =	sadd.s32 $0x280, s7;
	[sflag:s13] =	ssyncadd.s32 $0xFFFFE000  }
0x5d: {  	[tilespmem:s18], [sflag:$0x2] =	stream.indirect.gather [hbm4b:s1+s15], $0x80, s10, s15, $0xb8;
	[tilespmem:$0x1E800] =	vst v63  }
0x5e: {  	_ =	swait.ge [sflag:s25], $0x2000  }
0x5f: {  	[sflag:s25] =	ssyncset.done $0x0  }
0x60: {  	s10 =	sadd.s32 $0x1500, s7;
	[sflag:s25] =	ssyncadd.s32 $0xFFFFE000  }
0x61: {  	[spmem:s2] =	stream.indirect.scatter.add.f32 [tilespmem:s20], [sflag:$0x5], $0x80, s10, s15, $0xb8;
	[tilespmem:$0x1E800] =	vst v63  }
0x62: {  	_ =	swait.ge [sflag:s13], $0x2000  }
0x63: {  	[sflag:s13] =	ssyncset.done $0x0  }
0x64: {  	s10 =	sadd.s32 $0x300, s7;
	[sflag:s13] =	ssyncadd.s32 $0xFFFFE000  }
0x65: {  	[tilespmem:s20], [sflag:$0x3] =	stream.indirect.gather [hbm4b:s1+s15], $0x80, s10, s15, $0xb8;
	[tilespmem:$0x1E800] =	vst v63  }
0x66: {  	_ =	swait.ge [sflag:s26], $0x2000  }
0x67: {  	[sflag:s26] =	ssyncset.done $0x0  }
.Ltmp0:
0x68: {  	s10 =	sadd.s32 $0x1580, s7;
	[sflag:s26] =	ssyncadd.s32 $0xFFFFE000;
	(pc) =	sbr.rel @p0 .LBB2_3-.Ltmp0, $4  }
0x69: {  	[spmem:s2] =	stream.indirect.scatter.add.f32 [tilespmem:s22], [sflag:$0x5], $0x80, s10, s15, $0xb8;
	[tilespmem:$0x1E800] =	vst v63  }
0x6a: {  	_ =	swait.ge [sflag:s13], $0x2000  }
0x6b: {  	[sflag:s13] =	ssyncset.done $0x0  }
0x6c: {  	s7 =	sadd.s32 $0x380, s7;
	[sflag:s13] =	ssyncadd.s32 $0xFFFFE000  }
0x6d: {  	[tilespmem:s22], [sflag:$0x4] =	stream.indirect.gather [hbm4b:s1+s15], $0x80, s7, s15, $0xb8;
	[tilespmem:$0x1E800] =	vst v63  }
0x6e: {  	_ =	swait.ge [sflag:s23], $0x2000  }
0x6f: {  	[sflag:s23] =	ssyncset.done $0x0  }
0x70: {  	[sflag:s23] =	ssyncadd.s32 $0xFFFFE000  }
0x71: {  	[spmem:s2] =	stream.indirect.scatter.add.f32 [tilespmem:s16], [sflag:$0x5], $0x80, s28, s15, $0xb8;
	[tilespmem:$0x1E800] =	vst v63  }
0x72: {  	_ =	swait.ge [sflag:s13], $0x2000  }
0x73: {  	[sflag:s13] =	ssyncset.done $0x0  }
0x74: {  	[sflag:s13] =	ssyncadd.s32 $0xFFFFE000  }
0x75: {  	_ =	swait.ge [sflag:s24], $0x2000  }
0x76: {  	[sflag:s24] =	ssyncset.done $0x0  }
0x77: {  	[sflag:s24] =	ssyncadd.s32 $0xFFFFE000  }
0x78: {  	[spmem:s2] =	stream.indirect.scatter.add.f32 [tilespmem:s18], [sflag:$0x5], $0x80, s29, s15, $0xb8;
	[tilespmem:$0x1E800] =	vst v63  }
0x79: {  	_ =	swait.ge [sflag:s13], $0x2000  }
0x7a: {  	[sflag:s13] =	ssyncset.done $0x0  }
0x7b: {  	[sflag:s13] =	ssyncadd.s32 $0xFFFFE000  }
0x7c: {  	_ =	swait.ge [sflag:s25], $0x2000  }
0x7d: {  	[sflag:s25] =	ssyncset.done $0x0  }
0x7e: {  	[sflag:s25] =	ssyncadd.s32 $0xFFFFE000  }
0x7f: {  	[spmem:s2] =	stream.indirect.scatter.add.f32 [tilespmem:s20], [sflag:$0x5], $0x80, s30, s15, $0xb8;
	[tilespmem:$0x1E800] =	vst v63  }
0x80: {  	_ =	swait.ge [sflag:s13], $0x2000  }
0x81: {  	[sflag:s13] =	ssyncset.done $0x0  }
0x82: {  	[sflag:s13] =	ssyncadd.s32 $0xFFFFE000  }
0x83: {  	s0 =	sadd.s32 $0x1, s0;
	_ =	swait.ge [sflag:s26], $0x2000  }
0x84: {  	p0 =	sne.s32 s0, $0x4;
	[sflag:s26] =	ssyncset.done $0x0  }
.Ltmp1:
0x85: {  	[sflag:s26] =	ssyncadd.s32 $0xFFFFE000;
	(pc) =	sbr.rel @p0 .LBB2_2-.Ltmp1, $4  }
0x86: {  	[spmem:s2] =	stream.indirect.scatter.add.f32 [tilespmem:s22], [sflag:$0x5], $0x80, s31, s15, $0xb8;
	[tilespmem:$0x1E800] =	vst v63  }
0x87: {  	_ =	swait.ge [sflag:s13], $0x2000  }
0x88: {  	[sflag:s13] =	ssyncset.done $0x0  }
0x89: {  	[sflag:s13] =	ssyncadd.s32 $0xFFFFE000  }
0x8a: {  	s4 =	sadd.s32 $0x1, s4  }
0x8b: {  	[bflag:$0x0] =	sbarrier.arrive $0xFFFF;
	p0 =	sne.s32 s4, s11  }
.Ltmp2:
0x8c: {  	s0 =	rddreg [dreg:$0x5];
	(pc) =	sbr.rel @p0 .LBB2_1-.Ltmp2, $4  }
0x8d: {  	[hbm:s0], [sflag:s8] =	dma.local [spmem:s12], $0x2800  }
0x8e: {  	_ =	swait.ge [sflag:s13], $0x2800  }
0x8f: {  	[sflag:s13] =	ssyncset.done $0x0  }
0x90: {  	[sflag:s13] =	ssyncadd.s32 $0xFFFFD800  }
0x91: {  	_ =	sfence.sel $0x180000  }
0x92: {  	[bflag:$0x0] =	sbarrier.arrive $0xFFFF  }
0x93: {  	_ =	strace $0x9000004D  }
0x94: {  	s0 =	stileid.u32;
	[bflag:$0x2] =	sbarrier.arrive $0xFFFF  }
0x95: {  	p0 =	sne.s32 s0, $0x0;
	s0 =	rddreg [dreg:$0x3]  }
0x96: {  	s0 =	sadd.s32 @!p0 $0x100000, s0  }
0x97: {  	[sflag:s0] =	ssyncadd.tile.s32 @!p0 $0x1;
	_ =	shalt  }
.Lfunc_end2:
_tile_overlayer_lowered:
.L_overlay_start_2:
0x98: {  	(tag) =	ssettag $0x2  }
0x99: {  	s0 =	rddreg [dreg:$0x0];
	s2 =	stileid.u32  }
0x9a: {  	s1 =	rddreg [dreg:$0x1];
	p0 =	sne.s32 s2, $0x0  }
0x9b: {  	s3 =	rddreg [dreg:$0x2];
	[bflag:$0x3] =	sbarrier.arrive $0xFFFF;
	s2 =	simm.s32 @!p0 $0x1C05  }
0x9c: {  	[timem:s3], [sflag:s2] =	dma.local @!p0 [hbm:s0], s1  }
0x9d: {  	s0 =	simm.s32 @!p0 $0x5  }
0x9e: {  	_ =	swait.ge @!p0 [sflag:s0], s1  }
0x9f: {  	s1 =	ssub.s32 @!p0 $0x0, s1;
	[sflag:s0] =	ssyncset.done @!p0 $0x0  }
0xa0: {  	[sflag:s0] =	ssyncadd.s32 @!p0 s1  }
0xa1: {  	[bflag:$0x3] =	sbarrier.arrive $0xFFFF  }
0xa2: {  	_ =	shalt  }

</sc_bundles>
